<compile_context>
chip_gen: v7x
topology: tpu7x:2x2x1
jax: 0.10.2.dev20260603
libtpu: 0.0.44.dev20260713+nightly
codegen_flags: <defaults>
</compile_context>

<pallas_src>
import functools

import jax
import jax.numpy as jnp
from jax import lax
from jax.experimental import pallas as pl
from jax.experimental.pallas import tpu as pltpu
from jax.experimental.pallas import tpu_sc as plsc

N = 1024 * 65536
K = int(0.05 * N)
RANK_HIGH = N - K + 1
NC, NS = 2, 16
NW = NC * NS
CBINS = 65536
ROWS_PER_TILE = 1024 // NW
COLCHUNKS = 65536 // 2048
NCHUNK = (ROWS_PER_TILE // 8) * COLCHUNKS
NPAIR = NCHUNK // 2

_mesh = plsc.VectorSubcoreMesh(core_axis_name="c", subcore_axis_name="s")
_sc_params = pltpu.CompilerParams(needs_layout_passes=False,
                                  use_tc_tiling_on_sc=True)


def _chunk_slice(neg, wid, ci):
    rg = ci >> 5
    cc = ci & jnp.int32(COLCHUNKS - 1)
    r0 = pl.multiple_of(wid * ROWS_PER_TILE + rg * 8, 8)
    c0 = pl.multiple_of(cc * 2048, 2048)
    return neg.at[pl.ds(r0, 8), pl.ds(c0, 2048)]


def _start(neg, wid, ci, buf, sem):
    pltpu.async_copy(_chunk_slice(neg, wid, ci), buf, sem)


def _wait(neg, wid, ci, buf, sem):
    pltpu.make_async_copy(_chunk_slice(neg, wid, ci), buf, sem).wait()


@functools.partial(
    pl.kernel,
    out_type=jax.ShapeDtypeStruct((NW, CBINS), jnp.int32),
    mesh=_mesh,
    compiler_params=_sc_params,
    scratch_types=[pltpu.VMEM((8, 2048), jnp.float32),
                   pltpu.VMEM((8, 2048), jnp.float32),
                   pltpu.VMEM((CBINS,), jnp.int32),
                   pltpu.SemaphoreType.DMA,
                   pltpu.SemaphoreType.DMA],
)
def _pass_a(neg, cnt_out, buf0, buf1, hcnt, sem0, sem1):
    wid = lax.axis_index("s") * NC + lax.axis_index("c")
    zi = jnp.zeros((16,), jnp.int32)
    ones = jnp.ones((16,), jnp.int32)

    _start(neg, wid, 0, buf0, sem0)

    @plsc.parallel_loop(0, CBINS // 16, unroll=8)
    def _(i):
        hcnt[pl.ds(pl.multiple_of(i * 16, 16), 16)] = zi

    def process(buf):
        @plsc.parallel_loop(0, 2048 // 16, unroll=8)
        def _(i):
            off = pl.multiple_of(i * 16, 16)
            for row in range(8):
                x = buf[row, pl.ds(off, 16)]
                ix = lax.bitcast_convert_type(x, jnp.int32)
                cb = lax.shift_right_logical(ix, 16)
                plsc.addupdate_scatter(hcnt, [cb], ones)

    @pl.loop(0, NPAIR)
    def _(p):
        c0 = 2 * p
        _start(neg, wid, c0 + 1, buf1, sem1)
        _wait(neg, wid, c0, buf0, sem0)
        process(buf0)
        nxt = jnp.minimum(c0 + 2, NCHUNK - 2)
        _start(neg, wid, nxt, buf0, sem0)
        _wait(neg, wid, c0 + 1, buf1, sem1)
        process(buf1)

    _wait(neg, wid, NCHUNK - 2, buf0, sem0)
    pltpu.sync_copy(hcnt, cnt_out.at[wid])


def _upper_tri(n):
    r = lax.broadcasted_iota(jnp.int32, (n, n), 0)
    c = lax.broadcasted_iota(jnp.int32, (n, n), 1)
    return (r <= c).astype(jnp.float32)


def _strict_lower(n):
    r = lax.broadcasted_iota(jnp.int32, (n, n), 0)
    c = lax.broadcasted_iota(jnp.int32, (n, n), 1)
    return (c < r).astype(jnp.float32)


def _cumsum2d(h):
    rows = h.shape[0]
    rowcum = jnp.dot(h, _upper_tri(128), preferred_element_type=jnp.float32)
    rowtot = rowcum[:, 127:128]
    rowpref = jnp.dot(_strict_lower(rows), rowtot,
                      preferred_element_type=jnp.float32)
    return rowcum + rowpref


def _dec_body(cnt_ref, pos_ref, out_ref):
    hraw = jnp.sum(cnt_ref[...], axis=0)
    def _anti(n):
        rr = lax.broadcasted_iota(jnp.int32, (n, n), 0)
        cc = lax.broadcasted_iota(jnp.int32, (n, n), 1)
        return (rr + cc == n - 1).astype(jnp.float32)

    botf = hraw[256:].astype(jnp.float32)
    bot_flip = jnp.dot(_anti(256),
                       jnp.dot(botf, _anti(128),
                               preferred_element_type=jnp.float32),
                       preferred_element_type=jnp.float32)
    hf = jnp.concatenate([bot_flip, hraw[:256].astype(jnp.float32)], axis=0)
    hi = hf.astype(jnp.int32)
    cum = _cumsum2d(hf)
    r = lax.broadcasted_iota(jnp.int32, (512, 128), 0)
    c = lax.broadcasted_iota(jnp.int32, (512, 128), 1)
    bi = r * 128 + c

    mask_l = cum < jnp.float32(K)
    b_low = jnp.sum(mask_l.astype(jnp.int32))
    mask_h = cum < jnp.float32(RANK_HIGH)
    b_high = jnp.sum(mask_h.astype(jnp.int32))
    bef_high = jnp.sum(jnp.where(mask_h, hi, 0))

    rb = jnp.where(bi >= jnp.int32(CBINS // 2),
                   bi - jnp.int32(CBINS // 2),
                   jnp.int32(CBINS - 1) - bi)
    vmid = jnp.abs(lax.bitcast_convert_type(
        (rb << 16) | jnp.int32(0x8000), jnp.float32))
    repr_c = jnp.where(vmid < jnp.float32(3.0e38), vmid, jnp.float32(0.0))

    at_low = bi == b_low
    at_high = bi == b_high
    cum_at_low = jnp.sum(jnp.where(at_low, cum, 0.0))
    cnt_at_low = jnp.sum(jnp.where(at_low, hf, 0.0))
    cnt_at_high = jnp.sum(jnp.where(at_high, hf, 0.0))
    repr_low = jnp.sum(jnp.where(at_low, repr_c, 0.0))
    repr_high = jnp.sum(jnp.where(at_high, repr_c, 0.0))

    kept_low = jnp.clip(cum_at_low - jnp.float32(K) + jnp.float32(1.0),
                        jnp.float32(0.0), cnt_at_low)
    kept_high = jnp.clip(
        (jnp.int32(RANK_HIGH) - bef_high).astype(jnp.float32),
        jnp.float32(0.0), cnt_at_high)

    mid = (bi > b_low) & (bi < b_high)
    s_mid = jnp.sum(jnp.where(mid, hf * repr_c, jnp.float32(0.0)))
    total = s_mid + kept_low * repr_low + kept_high * repr_high

    loss = (jnp.float32(1.0) - jnp.mean(pos_ref[...])
            + total / jnp.float32(N))
    out_ref[0, 0] = loss


_dec = pl.pallas_call(
    _dec_body,
    in_specs=[pl.BlockSpec(), pl.BlockSpec()],
    out_shape=jax.ShapeDtypeStruct((1, 1), jnp.float32),
    out_specs=pl.BlockSpec(memory_space=pltpu.SMEM),
)


def kernel(pos, neg):
    cnt = _pass_a(neg)
    out = _dec(cnt.reshape(NW, 512, 128), pos.reshape(8, 128))
    return out[0, 0]

# --- scband reference (transcript-rebuilt; emitter-appended) ---
"""Pipeline reference for scband-corr-opt-head-46488726012442 (READ-ONLY COPY).

The authoritative reference and input builder live on the scoring server;
editing this copy changes nothing except your own understanding.
"""

import jax, jax.numpy as jnp
import numpy as np

MIX_WEIGHT = 1.0
LOW_TH = 0.05
HIGH_TH = 0.05


def setup_inputs(seed: int = 0) -> dict:
    key = jax.random.key(seed)
    k1, k2 = jax.random.split(key)
    pos = jax.random.uniform(k1, (1024, 1), dtype=jnp.float32)
    neg = jax.random.normal(k2, (1024, 65536), dtype=jnp.float32)
    return {"pos": pos, "neg": neg}


def _adaptive_filter_neg(neg, adaptive_th, low_or_high):
    neg_flat = neg.reshape(-1)
    filter_num = int(adaptive_th * neg_flat.shape[0])
    if low_or_high == 'low':
        vals, _ = jax.lax.top_k(-neg_flat, filter_num)
        vals = -vals
        thresh = jnp.max(vals)
        neg = jnp.where(neg < thresh, jnp.zeros((), neg.dtype), neg)
    else:
        vals, _ = jax.lax.top_k(neg_flat, filter_num)
        thresh = jnp.min(vals)
        neg = jnp.where(neg > thresh, jnp.zeros((), neg.dtype), neg)
    return neg


def reference(pos, neg):
    # adaptive_low_th branch
    neg = _adaptive_filter_neg(neg, LOW_TH, 'low')
    # adaptive_high_th branch
    neg = _adaptive_filter_neg(neg, HIGH_TH, 'high')
    loss = 1.0 - jnp.mean(pos) + MIX_WEIGHT * jnp.mean(jnp.abs(neg))
    return loss

if __name__ == "__main__":
    import jax
    _d = setup_inputs()
    print(jax.jit(kernel)(*tuple(_d.values())))

</pallas_src>

<mosaic_0001>
#map = affine_map<(d0, d1) -> (0, 0)>
module attributes {stable_mosaic.version = 14 : i64} {
  func.func @_pass_a(%arg0: i32, %arg1: i32, %arg2: memref<1024x65536xf32, #tpu.memory_space<hbm>>, %arg3: memref<32x65536xi32, #tpu.memory_space<hbm>>, %arg4: memref<8x2048xf32, #tpu.memory_space<vmem>>, %arg5: memref<8x2048xf32, #tpu.memory_space<vmem>>, %arg6: memref<65536xi32, #tpu.memory_space<vmem>>, %arg7: memref<!tpu.dma_semaphore, #tpu.memory_space<semaphore_mem>>, %arg8: memref<!tpu.dma_semaphore, #tpu.memory_space<semaphore_mem>>) attributes {dimension_semantics = [#tpu.dimension_semantics<core_parallel>, #tpu.dimension_semantics<subcore_parallel>], iteration_bounds = array<i64: 2, 16>, scalar_prefetch = 0 : i64, scratch_operands = 5 : i64, tpu.core_type = #tpu.core_type<sc_vector_subcore>, window_params = [{transform_indices = #map}, {transform_indices = #map}]} {
    %mul3A = arith.constant 2 : i32
    %mul3A_0 = arith.muli %arg1, %mul3A : i32
    %add3A = arith.addi %mul3A_0, %arg0 : i32
    %broadcast_in_dim3A = arith.constant 0 : i32
    %broadcast_in_dim3A_1 = vector.broadcast %broadcast_in_dim3A : i32 to vector<16xi32>
    %broadcast_in_dim3A_2 = arith.constant 1 : i32
    %broadcast_in_dim3A_3 = vector.broadcast %broadcast_in_dim3A_2 : i32 to vector<16xi32>
    %and3A = arith.constant 0 : i32
    %and3A_4 = arith.constant 31 : i32
    %and3A_5 = arith.andi %and3A, %and3A_4 : i32
    %mul3A_6 = arith.constant 32 : i32
    %mul3A_7 = arith.muli %add3A, %mul3A_6 : i32
    %add3A_8 = arith.constant 0 : i32
    %add3A_9 = arith.addi %mul3A_7, %add3A_8 : i32
    %multiple_of3A = tpu.assume_multiple %add3A_9, 8 : i32
    %mul3A_10 = arith.constant 2048 : i32
    %mul3A_11 = arith.muli %and3A_5, %mul3A_10 : i32
    %multiple_of3A_12 = tpu.assume_multiple %mul3A_11, 2048 : i32
    %dma_start3A = tpu.memref_slice %arg2[%multiple_of3A, %multiple_of3A_12] : memref<1024x65536xf32, #tpu.memory_space<hbm>> -> memref<8x2048xf32, #tpu.memory_space<hbm>>
    %dma_start3A_13 = tpu.memref_slice %arg2[%multiple_of3A, %multiple_of3A_12] : memref<1024x65536xf32, #tpu.memory_space<hbm>> -> memref<8x2048xf32, #tpu.memory_space<hbm>>
    tpu.enqueue_dma source(%dma_start3A_13 : memref<8x2048xf32, #tpu.memory_space<hbm>>) target(%arg4 : memref<8x2048xf32, #tpu.memory_space<vmem>>) target_semaphore(%arg7 : memref<!tpu.dma_semaphore, #tpu.memory_space<semaphore_mem>>)
    %parallel_loop3A = arith.constant 0 : i32
    %parallel_loop3A_14 = arith.constant 4096 : i32
    %parallel_loop3A_15 = arith.constant 1 : i32
    scf.for %parallel_loop3A_32 = %parallel_loop3A to %parallel_loop3A_14 step %parallel_loop3A_15  : i32 {
      %parallel_loop3A_33 = arith.constant 16 : i32
      %parallel_loop3A_34 = arith.muli %parallel_loop3A_32, %parallel_loop3A_33 : i32
      %parallel_loop3A_35 = tpu.assume_multiple %parallel_loop3A_34, 16 : i32
      %parallel_loop3A_36 = arith.index_cast %parallel_loop3A_35 : i32 to index
      %parallel_loop3A_37 = tpu.vector_load %arg6[%parallel_loop3A_36] {strides = array<i32>} : memref<65536xi32, #tpu.memory_space<vmem>>, vector<16xi32>,
      tpu.vector_store %arg6[%parallel_loop3A_36], %broadcast_in_dim3A_1 {strides = array<i32>} : memref<65536xi32, #tpu.memory_space<vmem>>, vector<16xi32>,
    } {sc.loop_unroll_factor = 8 : i64, sc.parallel_access}
    %scan3A = arith.constant 0 : i32
    %scan3A_16 = arith.constant 64 : i32
    %scan3A_17 = arith.addi %scan3A, %scan3A_16 : i32
    %scan3A_18 = arith.constant 1 : i32
    scf.for %scan3A_32 = %scan3A to %scan3A_17 step %scan3A_18  : i32 {
      %mul3A_33 = arith.constant 1 : i32
      %mul3A_34 = arith.muli %scan3A_32, %mul3A_33 : i32
      %add3A_35 = arith.constant 0 : i32
      %add3A_36 = arith.addi %add3A_35, %mul3A_34 : i32
      %mul3A_37 = arith.constant 2 : i32
      %mul3A_38 = arith.muli %mul3A_37, %add3A_36 : i32
      %add3A_39 = arith.constant 1 : i32
      %add3A_40 = arith.addi %mul3A_38, %add3A_39 : i32
      %shift_right_arithmetic3A = arith.constant 5 : i32
      %shift_right_arithmetic3A_41 = arith.shrsi %add3A_40, %shift_right_arithmetic3A : i32
      %and3A_42 = arith.constant 31 : i32
      %and3A_43 = arith.andi %add3A_40, %and3A_42 : i32
      %mul3A_44 = arith.constant 32 : i32
      %mul3A_45 = arith.muli %add3A, %mul3A_44 : i32
      %mul3A_46 = arith.constant 8 : i32
      %mul3A_47 = arith.muli %shift_right_arithmetic3A_41, %mul3A_46 : i32
      %add3A_48 = arith.addi %mul3A_45, %mul3A_47 : i32
      %multiple_of3A_49 = tpu.assume_multiple %add3A_48, 8 : i32
      %mul3A_50 = arith.constant 2048 : i32
      %mul3A_51 = arith.muli %and3A_43, %mul3A_50 : i32
      %multiple_of3A_52 = tpu.assume_multiple %mul3A_51, 2048 : i32
      %dma_start3A_53 = tpu.memref_slice %arg2[%multiple_of3A_49, %multiple_of3A_52] : memref<1024x65536xf32, #tpu.memory_space<hbm>> -> memref<8x2048xf32, #tpu.memory_space<hbm>>
      %dma_start3A_54 = tpu.memref_slice %arg2[%multiple_of3A_49, %multiple_of3A_52] : memref<1024x65536xf32, #tpu.memory_space<hbm>> -> memref<8x2048xf32, #tpu.memory_space<hbm>>
      tpu.enqueue_dma source(%dma_start3A_54 : memref<8x2048xf32, #tpu.memory_space<hbm>>) target(%arg5 : memref<8x2048xf32, #tpu.memory_space<vmem>>) target_semaphore(%arg8 : memref<!tpu.dma_semaphore, #tpu.memory_space<semaphore_mem>>)
      %shift_right_arithmetic3A_55 = arith.constant 5 : i32
      %shift_right_arithmetic3A_56 = arith.shrsi %mul3A_38, %shift_right_arithmetic3A_55 : i32
      %and3A_57 = arith.constant 31 : i32
      %and3A_58 = arith.andi %mul3A_38, %and3A_57 : i32
      %mul3A_59 = arith.constant 32 : i32
      %mul3A_60 = arith.muli %add3A, %mul3A_59 : i32
      %mul3A_61 = arith.constant 8 : i32
      %mul3A_62 = arith.muli %shift_right_arithmetic3A_56, %mul3A_61 : i32
      %add3A_63 = arith.addi %mul3A_60, %mul3A_62 : i32
      %multiple_of3A_64 = tpu.assume_multiple %add3A_63, 8 : i32
      %mul3A_65 = arith.constant 2048 : i32
      %mul3A_66 = arith.muli %and3A_58, %mul3A_65 : i32
      %multiple_of3A_67 = tpu.assume_multiple %mul3A_66, 2048 : i32
      %dma_wait3A_68 = tpu.memref_slice %arg2[%multiple_of3A_64, %multiple_of3A_67] : memref<1024x65536xf32, #tpu.memory_space<hbm>> -> memref<8x2048xf32, #tpu.memory_space<hbm>>
      %dma_wait3A_69 = tpu.memref_slice %arg2[%multiple_of3A_64, %multiple_of3A_67] : memref<1024x65536xf32, #tpu.memory_space<hbm>> -> memref<8x2048xf32, #tpu.memory_space<hbm>>
      tpu.wait_dma2 semaphore(%arg7 : memref<!tpu.dma_semaphore, #tpu.memory_space<semaphore_mem>>) src(%dma_wait3A_69 : memref<8x2048xf32, #tpu.memory_space<hbm>>) dst(%arg4 : memref<8x2048xf32, #tpu.memory_space<vmem>>)
      %parallel_loop3A_70 = arith.constant 0 : i32
      %parallel_loop3A_71 = arith.constant 128 : i32
      %parallel_loop3A_72 = arith.constant 1 : i32
      scf.for %parallel_loop3A_111 = %parallel_loop3A_70 to %parallel_loop3A_71 step %parallel_loop3A_72  : i32 {
        %parallel_loop3A_112 = arith.constant 16 : i32
        %parallel_loop3A_113 = arith.muli %parallel_loop3A_111, %parallel_loop3A_112 : i32
        %parallel_loop3A_114 = tpu.assume_multiple %parallel_loop3A_113, 16 : i32
        %parallel_loop3A_115 = arith.constant 0 : i32
        %parallel_loop3A_116 = arith.index_cast %parallel_loop3A_115 : i32 to index
        %parallel_loop3A_117 = arith.index_cast %parallel_loop3A_114 : i32 to index
        %parallel_loop3A_118 = tpu.vector_load %arg4[%parallel_loop3A_116, %parallel_loop3A_117] {strides = array<i32>} : memref<8x2048xf32, #tpu.memory_space<vmem>>, vector<16xf32>,
        %parallel_loop3A_119 = tpu.bitcast %parallel_loop3A_118 : vector<16xf32> -> vector<16xi32>
        %parallel_loop3A_120 = arith.constant 16 : i32
        %parallel_loop3A_121 = vector.broadcast %parallel_loop3A_120 : i32 to vector<16xi32>
        %parallel_loop3A_122 = arith.shrui %parallel_loop3A_119, %parallel_loop3A_121 : vector<16xi32>
        tpu.vector_store_idx %arg6[%parallel_loop3A_122], %broadcast_in_dim3A_3 {add = true} : memref<65536xi32, #tpu.memory_space<vmem>>[vector<16xi32>], vector<16xi32>,
        %parallel_loop3A_123 = arith.constant 1 : i32
        %parallel_loop3A_124 = arith.index_cast %parallel_loop3A_123 : i32 to index
        %parallel_loop3A_125 = arith.index_cast %parallel_loop3A_114 : i32 to index
        %parallel_loop3A_126 = tpu.vector_load %arg4[%parallel_loop3A_124, %parallel_loop3A_125] {strides = array<i32>} : memref<8x2048xf32, #tpu.memory_space<vmem>>, vector<16xf32>,
        %parallel_loop3A_127 = tpu.bitcast %parallel_loop3A_126 : vector<16xf32> -> vector<16xi32>
        %parallel_loop3A_128 = arith.constant 16 : i32
        %parallel_loop3A_129 = vector.broadcast %parallel_loop3A_128 : i32 to vector<16xi32>
        %parallel_loop3A_130 = arith.shrui %parallel_loop3A_127, %parallel_loop3A_129 : vector<16xi32>
        tpu.vector_store_idx %arg6[%parallel_loop3A_130], %broadcast_in_dim3A_3 {add = true} : memref<65536xi32, #tpu.memory_space<vmem>>[vector<16xi32>], vector<16xi32>,
        %parallel_loop3A_131 = arith.constant 2 : i32
        %parallel_loop3A_132 = arith.index_cast %parallel_loop3A_131 : i32 to index
        %parallel_loop3A_133 = arith.index_cast %parallel_loop3A_114 : i32 to index
        %parallel_loop3A_134 = tpu.vector_load %arg4[%parallel_loop3A_132, %parallel_loop3A_133] {strides = array<i32>} : memref<8x2048xf32, #tpu.memory_space<vmem>>, vector<16xf32>,
        %parallel_loop3A_135 = tpu.bitcast %parallel_loop3A_134 : vector<16xf32> -> vector<16xi32>
        %parallel_loop3A_136 = arith.constant 16 : i32
        %parallel_loop3A_137 = vector.broadcast %parallel_loop3A_136 : i32 to vector<16xi32>
        %parallel_loop3A_138 = arith.shrui %parallel_loop3A_135, %parallel_loop3A_137 : vector<16xi32>
        tpu.vector_store_idx %arg6[%parallel_loop3A_138], %broadcast_in_dim3A_3 {add = true} : memref<65536xi32, #tpu.memory_space<vmem>>[vector<16xi32>], vector<16xi32>,
        %parallel_loop3A_139 = arith.constant 3 : i32
        %parallel_loop3A_140 = arith.index_cast %parallel_loop3A_139 : i32 to index
        %parallel_loop3A_141 = arith.index_cast %parallel_loop3A_114 : i32 to index
        %parallel_loop3A_142 = tpu.vector_load %arg4[%parallel_loop3A_140, %parallel_loop3A_141] {strides = array<i32>} : memref<8x2048xf32, #tpu.memory_space<vmem>>, vector<16xf32>,
        %parallel_loop3A_143 = tpu.bitcast %parallel_loop3A_142 : vector<16xf32> -> vector<16xi32>
        %parallel_loop3A_144 = arith.constant 16 : i32
        %parallel_loop3A_145 = vector.broadcast %parallel_loop3A_144 : i32 to vector<16xi32>
        %parallel_loop3A_146 = arith.shrui %parallel_loop3A_143, %parallel_loop3A_145 : vector<16xi32>
        tpu.vector_store_idx %arg6[%parallel_loop3A_146], %broadcast_in_dim3A_3 {add = true} : memref<65536xi32, #tpu.memory_space<vmem>>[vector<16xi32>], vector<16xi32>,
        %parallel_loop3A_147 = arith.constant 4 : i32
        %parallel_loop3A_148 = arith.index_cast %parallel_loop3A_147 : i32 to index
        %parallel_loop3A_149 = arith.index_cast %parallel_loop3A_114 : i32 to index
        %parallel_loop3A_150 = tpu.vector_load %arg4[%parallel_loop3A_148, %parallel_loop3A_149] {strides = array<i32>} : memref<8x2048xf32, #tpu.memory_space<vmem>>, vector<16xf32>,
        %parallel_loop3A_151 = tpu.bitcast %parallel_loop3A_150 : vector<16xf32> -> vector<16xi32>
        %parallel_loop3A_152 = arith.constant 16 : i32
        %parallel_loop3A_153 = vector.broadcast %parallel_loop3A_152 : i32 to vector<16xi32>
        %parallel_loop3A_154 = arith.shrui %parallel_loop3A_151, %parallel_loop3A_153 : vector<16xi32>
        tpu.vector_store_idx %arg6[%parallel_loop3A_154], %broadcast_in_dim3A_3 {add = true} : memref<65536xi32, #tpu.memory_space<vmem>>[vector<16xi32>], vector<16xi32>,
        %parallel_loop3A_155 = arith.constant 5 : i32
        %parallel_loop3A_156 = arith.index_cast %parallel_loop3A_155 : i32 to index
        %parallel_loop3A_157 = arith.index_cast %parallel_loop3A_114 : i32 to index
        %parallel_loop3A_158 = tpu.vector_load %arg4[%parallel_loop3A_156, %parallel_loop3A_157] {strides = array<i32>} : memref<8x2048xf32, #tpu.memory_space<vmem>>, vector<16xf32>,
        %parallel_loop3A_159 = tpu.bitcast %parallel_loop3A_158 : vector<16xf32> -> vector<16xi32>
        %parallel_loop3A_160 = arith.constant 16 : i32
        %parallel_loop3A_161 = vector.broadcast %parallel_loop3A_160 : i32 to vector<16xi32>
        %parallel_loop3A_162 = arith.shrui %parallel_loop3A_159, %parallel_loop3A_161 : vector<16xi32>
        tpu.vector_store_idx %arg6[%parallel_loop3A_162], %broadcast_in_dim3A_3 {add = true} : memref<65536xi32, #tpu.memory_space<vmem>>[vector<16xi32>], vector<16xi32>,
        %parallel_loop3A_163 = arith.constant 6 : i32
        %parallel_loop3A_164 = arith.index_cast %parallel_loop3A_163 : i32 to index
        %parallel_loop3A_165 = arith.index_cast %parallel_loop3A_114 : i32 to index
        %parallel_loop3A_166 = tpu.vector_load %arg4[%parallel_loop3A_164, %parallel_loop3A_165] {strides = array<i32>} : memref<8x2048xf32, #tpu.memory_space<vmem>>, vector<16xf32>,
        %parallel_loop3A_167 = tpu.bitcast %parallel_loop3A_166 : vector<16xf32> -> vector<16xi32>
        %parallel_loop3A_168 = arith.constant 16 : i32
        %parallel_loop3A_169 = vector.broadcast %parallel_loop3A_168 : i32 to vector<16xi32>
        %parallel_loop3A_170 = arith.shrui %parallel_loop3A_167, %parallel_loop3A_169 : vector<16xi32>
        tpu.vector_store_idx %arg6[%parallel_loop3A_170], %broadcast_in_dim3A_3 {add = true} : memref<65536xi32, #tpu.memory_space<vmem>>[vector<16xi32>], vector<16xi32>,
        %parallel_loop3A_171 = arith.constant 7 : i32
        %parallel_loop3A_172 = arith.index_cast %parallel_loop3A_171 : i32 to index
        %parallel_loop3A_173 = arith.index_cast %parallel_loop3A_114 : i32 to index
        %parallel_loop3A_174 = tpu.vector_load %arg4[%parallel_loop3A_172, %parallel_loop3A_173] {strides = array<i32>} : memref<8x2048xf32, #tpu.memory_space<vmem>>, vector<16xf32>,
        %parallel_loop3A_175 = tpu.bitcast %parallel_loop3A_174 : vector<16xf32> -> vector<16xi32>
        %parallel_loop3A_176 = arith.constant 16 : i32
        %parallel_loop3A_177 = vector.broadcast %parallel_loop3A_176 : i32 to vector<16xi32>
        %parallel_loop3A_178 = arith.shrui %parallel_loop3A_175, %parallel_loop3A_177 : vector<16xi32>
        tpu.vector_store_idx %arg6[%parallel_loop3A_178], %broadcast_in_dim3A_3 {add = true} : memref<65536xi32, #tpu.memory_space<vmem>>[vector<16xi32>], vector<16xi32>,
      } {sc.loop_unroll_factor = 8 : i64, sc.parallel_access}
      %add3A_73 = arith.constant 2 : i32
      %add3A_74 = arith.addi %mul3A_38, %add3A_73 : i32
      %min3A = arith.constant 126 : i32
      %min3A_75 = arith.minsi %add3A_74, %min3A : i32
      %shift_right_arithmetic3A_76 = arith.constant 5 : i32
      %shift_right_arithmetic3A_77 = arith.shrsi %min3A_75, %shift_right_arithmetic3A_76 : i32
      %and3A_78 = arith.constant 31 : i32
      %and3A_79 = arith.andi %min3A_75, %and3A_78 : i32
      %mul3A_80 = arith.constant 32 : i32
      %mul3A_81 = arith.muli %add3A, %mul3A_80 : i32
      %mul3A_82 = arith.constant 8 : i32
      %mul3A_83 = arith.muli %shift_right_arithmetic3A_77, %mul3A_82 : i32
      %add3A_84 = arith.addi %mul3A_81, %mul3A_83 : i32
      %multiple_of3A_85 = tpu.assume_multiple %add3A_84, 8 : i32
      %mul3A_86 = arith.constant 2048 : i32
      %mul3A_87 = arith.muli %and3A_79, %mul3A_86 : i32
      %multiple_of3A_88 = tpu.assume_multiple %mul3A_87, 2048 : i32
      %dma_start3A_89 = tpu.memref_slice %arg2[%multiple_of3A_85, %multiple_of3A_88] : memref<1024x65536xf32, #tpu.memory_space<hbm>> -> memref<8x2048xf32, #tpu.memory_space<hbm>>
      %dma_start3A_90 = tpu.memref_slice %arg2[%multiple_of3A_85, %multiple_of3A_88] : memref<1024x65536xf32, #tpu.memory_space<hbm>> -> memref<8x2048xf32, #tpu.memory_space<hbm>>
      tpu.enqueue_dma source(%dma_start3A_90 : memref<8x2048xf32, #tpu.memory_space<hbm>>) target(%arg4 : memref<8x2048xf32, #tpu.memory_space<vmem>>) target_semaphore(%arg7 : memref<!tpu.dma_semaphore, #tpu.memory_space<semaphore_mem>>)
      %add3A_91 = arith.constant 1 : i32
      %add3A_92 = arith.addi %mul3A_38, %add3A_91 : i32
      %shift_right_arithmetic3A_93 = arith.constant 5 : i32
      %shift_right_arithmetic3A_94 = arith.shrsi %add3A_92, %shift_right_arithmetic3A_93 : i32
      %and3A_95 = arith.constant 31 : i32
      %and3A_96 = arith.andi %add3A_92, %and3A_95 : i32
      %mul3A_97 = arith.constant 32 : i32
      %mul3A_98 = arith.muli %add3A, %mul3A_97 : i32
      %mul3A_99 = arith.constant 8 : i32
      %mul3A_100 = arith.muli %shift_right_arithmetic3A_94, %mul3A_99 : i32
      %add3A_101 = arith.addi %mul3A_98, %mul3A_100 : i32
      %multiple_of3A_102 = tpu.assume_multiple %add3A_101, 8 : i32
      %mul3A_103 = arith.constant 2048 : i32
      %mul3A_104 = arith.muli %and3A_96, %mul3A_103 : i32
      %multiple_of3A_105 = tpu.assume_multiple %mul3A_104, 2048 : i32
      %dma_wait3A_106 = tpu.memref_slice %arg2[%multiple_of3A_102, %multiple_of3A_105] : memref<1024x65536xf32, #tpu.memory_space<hbm>> -> memref<8x2048xf32, #tpu.memory_space<hbm>>
      %dma_wait3A_107 = tpu.memref_slice %arg2[%multiple_of3A_102, %multiple_of3A_105] : memref<1024x65536xf32, #tpu.memory_space<hbm>> -> memref<8x2048xf32, #tpu.memory_space<hbm>>
      tpu.wait_dma2 semaphore(%arg8 : memref<!tpu.dma_semaphore, #tpu.memory_space<semaphore_mem>>) src(%dma_wait3A_107 : memref<8x2048xf32, #tpu.memory_space<hbm>>) dst(%arg5 : memref<8x2048xf32, #tpu.memory_space<vmem>>)
      %parallel_loop3A_108 = arith.constant 0 : i32
      %parallel_loop3A_109 = arith.constant 128 : i32
      %parallel_loop3A_110 = arith.constant 1 : i32
      scf.for %parallel_loop3A_111 = %parallel_loop3A_108 to %parallel_loop3A_109 step %parallel_loop3A_110  : i32 {
        %parallel_loop3A_112 = arith.constant 16 : i32
        %parallel_loop3A_113 = arith.muli %parallel_loop3A_111, %parallel_loop3A_112 : i32
        %parallel_loop3A_114 = tpu.assume_multiple %parallel_loop3A_113, 16 : i32
        %parallel_loop3A_115 = arith.constant 0 : i32
        %parallel_loop3A_116 = arith.index_cast %parallel_loop3A_115 : i32 to index
        %parallel_loop3A_117 = arith.index_cast %parallel_loop3A_114 : i32 to index
        %parallel_loop3A_118 = tpu.vector_load %arg5[%parallel_loop3A_116, %parallel_loop3A_117] {strides = array<i32>} : memref<8x2048xf32, #tpu.memory_space<vmem>>, vector<16xf32>,
        %parallel_loop3A_119 = tpu.bitcast %parallel_loop3A_118 : vector<16xf32> -> vector<16xi32>
        %parallel_loop3A_120 = arith.constant 16 : i32
        %parallel_loop3A_121 = vector.broadcast %parallel_loop3A_120 : i32 to vector<16xi32>
        %parallel_loop3A_122 = arith.shrui %parallel_loop3A_119, %parallel_loop3A_121 : vector<16xi32>
        tpu.vector_store_idx %arg6[%parallel_loop3A_122], %broadcast_in_dim3A_3 {add = true} : memref<65536xi32, #tpu.memory_space<vmem>>[vector<16xi32>], vector<16xi32>,
        %parallel_loop3A_123 = arith.constant 1 : i32
        %parallel_loop3A_124 = arith.index_cast %parallel_loop3A_123 : i32 to index
        %parallel_loop3A_125 = arith.index_cast %parallel_loop3A_114 : i32 to index
        %parallel_loop3A_126 = tpu.vector_load %arg5[%parallel_loop3A_124, %parallel_loop3A_125] {strides = array<i32>} : memref<8x2048xf32, #tpu.memory_space<vmem>>, vector<16xf32>,
        %parallel_loop3A_127 = tpu.bitcast %parallel_loop3A_126 : vector<16xf32> -> vector<16xi32>
        %parallel_loop3A_128 = arith.constant 16 : i32
        %parallel_loop3A_129 = vector.broadcast %parallel_loop3A_128 : i32 to vector<16xi32>
        %parallel_loop3A_130 = arith.shrui %parallel_loop3A_127, %parallel_loop3A_129 : vector<16xi32>
        tpu.vector_store_idx %arg6[%parallel_loop3A_130], %broadcast_in_dim3A_3 {add = true} : memref<65536xi32, #tpu.memory_space<vmem>>[vector<16xi32>], vector<16xi32>,
        %parallel_loop3A_131 = arith.constant 2 : i32
        %parallel_loop3A_132 = arith.index_cast %parallel_loop3A_131 : i32 to index
        %parallel_loop3A_133 = arith.index_cast %parallel_loop3A_114 : i32 to index
        %parallel_loop3A_134 = tpu.vector_load %arg5[%parallel_loop3A_132, %parallel_loop3A_133] {strides = array<i32>} : memref<8x2048xf32, #tpu.memory_space<vmem>>, vector<16xf32>,
        %parallel_loop3A_135 = tpu.bitcast %parallel_loop3A_134 : vector<16xf32> -> vector<16xi32>
        %parallel_loop3A_136 = arith.constant 16 : i32
        %parallel_loop3A_137 = vector.broadcast %parallel_loop3A_136 : i32 to vector<16xi32>
        %parallel_loop3A_138 = arith.shrui %parallel_loop3A_135, %parallel_loop3A_137 : vector<16xi32>
        tpu.vector_store_idx %arg6[%parallel_loop3A_138], %broadcast_in_dim3A_3 {add = true} : memref<65536xi32, #tpu.memory_space<vmem>>[vector<16xi32>], vector<16xi32>,
        %parallel_loop3A_139 = arith.constant 3 : i32
        %parallel_loop3A_140 = arith.index_cast %parallel_loop3A_139 : i32 to index
        %parallel_loop3A_141 = arith.index_cast %parallel_loop3A_114 : i32 to index
        %parallel_loop3A_142 = tpu.vector_load %arg5[%parallel_loop3A_140, %parallel_loop3A_141] {strides = array<i32>} : memref<8x2048xf32, #tpu.memory_space<vmem>>, vector<16xf32>,
        %parallel_loop3A_143 = tpu.bitcast %parallel_loop3A_142 : vector<16xf32> -> vector<16xi32>
        %parallel_loop3A_144 = arith.constant 16 : i32
        %parallel_loop3A_145 = vector.broadcast %parallel_loop3A_144 : i32 to vector<16xi32>
        %parallel_loop3A_146 = arith.shrui %parallel_loop3A_143, %parallel_loop3A_145 : vector<16xi32>
        tpu.vector_store_idx %arg6[%parallel_loop3A_146], %broadcast_in_dim3A_3 {add = true} : memref<65536xi32, #tpu.memory_space<vmem>>[vector<16xi32>], vector<16xi32>,
        %parallel_loop3A_147 = arith.constant 4 : i32
        %parallel_loop3A_148 = arith.index_cast %parallel_loop3A_147 : i32 to index
        %parallel_loop3A_149 = arith.index_cast %parallel_loop3A_114 : i32 to index
        %parallel_loop3A_150 = tpu.vector_load %arg5[%parallel_loop3A_148, %parallel_loop3A_149] {strides = array<i32>} : memref<8x2048xf32, #tpu.memory_space<vmem>>, vector<16xf32>,
        %parallel_loop3A_151 = tpu.bitcast %parallel_loop3A_150 : vector<16xf32> -> vector<16xi32>
        %parallel_loop3A_152 = arith.constant 16 : i32
        %parallel_loop3A_153 = vector.broadcast %parallel_loop3A_152 : i32 to vector<16xi32>
        %parallel_loop3A_154 = arith.shrui %parallel_loop3A_151, %parallel_loop3A_153 : vector<16xi32>
        tpu.vector_store_idx %arg6[%parallel_loop3A_154], %broadcast_in_dim3A_3 {add = true} : memref<65536xi32, #tpu.memory_space<vmem>>[vector<16xi32>], vector<16xi32>,
        %parallel_loop3A_155 = arith.constant 5 : i32
        %parallel_loop3A_156 = arith.index_cast %parallel_loop3A_155 : i32 to index
        %parallel_loop3A_157 = arith.index_cast %parallel_loop3A_114 : i32 to index
        %parallel_loop3A_158 = tpu.vector_load %arg5[%parallel_loop3A_156, %parallel_loop3A_157] {strides = array<i32>} : memref<8x2048xf32, #tpu.memory_space<vmem>>, vector<16xf32>,
        %parallel_loop3A_159 = tpu.bitcast %parallel_loop3A_158 : vector<16xf32> -> vector<16xi32>
        %parallel_loop3A_160 = arith.constant 16 : i32
        %parallel_loop3A_161 = vector.broadcast %parallel_loop3A_160 : i32 to vector<16xi32>
        %parallel_loop3A_162 = arith.shrui %parallel_loop3A_159, %parallel_loop3A_161 : vector<16xi32>
        tpu.vector_store_idx %arg6[%parallel_loop3A_162], %broadcast_in_dim3A_3 {add = true} : memref<65536xi32, #tpu.memory_space<vmem>>[vector<16xi32>], vector<16xi32>,
        %parallel_loop3A_163 = arith.constant 6 : i32
        %parallel_loop3A_164 = arith.index_cast %parallel_loop3A_163 : i32 to index
        %parallel_loop3A_165 = arith.index_cast %parallel_loop3A_114 : i32 to index
        %parallel_loop3A_166 = tpu.vector_load %arg5[%parallel_loop3A_164, %parallel_loop3A_165] {strides = array<i32>} : memref<8x2048xf32, #tpu.memory_space<vmem>>, vector<16xf32>,
        %parallel_loop3A_167 = tpu.bitcast %parallel_loop3A_166 : vector<16xf32> -> vector<16xi32>
        %parallel_loop3A_168 = arith.constant 16 : i32
        %parallel_loop3A_169 = vector.broadcast %parallel_loop3A_168 : i32 to vector<16xi32>
        %parallel_loop3A_170 = arith.shrui %parallel_loop3A_167, %parallel_loop3A_169 : vector<16xi32>
        tpu.vector_store_idx %arg6[%parallel_loop3A_170], %broadcast_in_dim3A_3 {add = true} : memref<65536xi32, #tpu.memory_space<vmem>>[vector<16xi32>], vector<16xi32>,
        %parallel_loop3A_171 = arith.constant 7 : i32
        %parallel_loop3A_172 = arith.index_cast %parallel_loop3A_171 : i32 to index
        %parallel_loop3A_173 = arith.index_cast %parallel_loop3A_114 : i32 to index
        %parallel_loop3A_174 = tpu.vector_load %arg5[%parallel_loop3A_172, %parallel_loop3A_173] {strides = array<i32>} : memref<8x2048xf32, #tpu.memory_space<vmem>>, vector<16xf32>,
        %parallel_loop3A_175 = tpu.bitcast %parallel_loop3A_174 : vector<16xf32> -> vector<16xi32>
        %parallel_loop3A_176 = arith.constant 16 : i32
        %parallel_loop3A_177 = vector.broadcast %parallel_loop3A_176 : i32 to vector<16xi32>
        %parallel_loop3A_178 = arith.shrui %parallel_loop3A_175, %parallel_loop3A_177 : vector<16xi32>
        tpu.vector_store_idx %arg6[%parallel_loop3A_178], %broadcast_in_dim3A_3 {add = true} : memref<65536xi32, #tpu.memory_space<vmem>>[vector<16xi32>], vector<16xi32>,
      } {sc.loop_unroll_factor = 8 : i64, sc.parallel_access}
    }
    %scan3A_19 = arith.constant 64 : i32
    %and3A_20 = arith.constant 126 : i32
    %and3A_21 = arith.constant 31 : i32
    %and3A_22 = arith.andi %and3A_20, %and3A_21 : i32
    %mul3A_23 = arith.constant 32 : i32
    %mul3A_24 = arith.muli %add3A, %mul3A_23 : i32
    %add3A_25 = arith.constant 24 : i32
    %add3A_26 = arith.addi %mul3A_24, %add3A_25 : i32
    %multiple_of3A_27 = tpu.assume_multiple %add3A_26, 8 : i32
    %mul3A_28 = arith.constant 2048 : i32
    %mul3A_29 = arith.muli %and3A_22, %mul3A_28 : i32
    %multiple_of3A_30 = tpu.assume_multiple %mul3A_29, 2048 : i32
    %dma_wait3A = tpu.memref_slice %arg2[%multiple_of3A_27, %multiple_of3A_30] : memref<1024x65536xf32, #tpu.memory_space<hbm>> -> memref<8x2048xf32, #tpu.memory_space<hbm>>
    %dma_wait3A_31 = tpu.memref_slice %arg2[%multiple_of3A_27, %multiple_of3A_30] : memref<1024x65536xf32, #tpu.memory_space<hbm>> -> memref<8x2048xf32, #tpu.memory_space<hbm>>
    tpu.wait_dma2 semaphore(%arg7 : memref<!tpu.dma_semaphore, #tpu.memory_space<semaphore_mem>>) src(%dma_wait3A_31 : memref<8x2048xf32, #tpu.memory_space<hbm>>) dst(%arg4 : memref<8x2048xf32, #tpu.memory_space<vmem>>)
    "tpu.region"() ({
      %run_scoped3A = tpu.sem_alloc : memref<!tpu.dma_semaphore, #tpu.memory_space<semaphore_mem>>
      %dma_start3A_32 = arith.constant 0 : i32
      %dma_start3A_33 = tpu.memref_slice %arg3[%add3A, %dma_start3A_32] : memref<32x65536xi32, #tpu.memory_space<hbm>> -> memref<1x65536xi32, #tpu.memory_space<hbm>>
      %dma_start3A_34 = tpu.memref_squeeze %dma_start3A_33 : memref<1x65536xi32, #tpu.memory_space<hbm>> -> memref<65536xi32, #tpu.memory_space<hbm>>
      %dma_start3A_35 = arith.constant 0 : i32
      %dma_start3A_36 = tpu.memref_slice %arg3[%add3A, %dma_start3A_35] : memref<32x65536xi32, #tpu.memory_space<hbm>> -> memref<1x65536xi32, #tpu.memory_space<hbm>>
      %dma_start3A_37 = tpu.memref_squeeze %dma_start3A_36 : memref<1x65536xi32, #tpu.memory_space<hbm>> -> memref<65536xi32, #tpu.memory_space<hbm>>
      tpu.enqueue_dma source(%arg6 : memref<65536xi32, #tpu.memory_space<vmem>>) target(%dma_start3A_37 : memref<65536xi32, #tpu.memory_space<hbm>>) target_semaphore(%run_scoped3A : memref<!tpu.dma_semaphore, #tpu.memory_space<semaphore_mem>>)
      %dma_wait3A_38 = arith.constant 0 : i32
      %dma_wait3A_39 = tpu.memref_slice %arg3[%add3A, %dma_wait3A_38] : memref<32x65536xi32, #tpu.memory_space<hbm>> -> memref<1x65536xi32, #tpu.memory_space<hbm>>
      %dma_wait3A_40 = tpu.memref_squeeze %dma_wait3A_39 : memref<1x65536xi32, #tpu.memory_space<hbm>> -> memref<65536xi32, #tpu.memory_space<hbm>>
      %dma_wait3A_41 = arith.constant 0 : i32
      %dma_wait3A_42 = tpu.memref_slice %arg3[%add3A, %dma_wait3A_41] : memref<32x65536xi32, #tpu.memory_space<hbm>> -> memref<1x65536xi32, #tpu.memory_space<hbm>>
      %dma_wait3A_43 = tpu.memref_squeeze %dma_wait3A_42 : memref<1x65536xi32, #tpu.memory_space<hbm>> -> memref<65536xi32, #tpu.memory_space<hbm>>
      tpu.wait_dma2 semaphore(%run_scoped3A : memref<!tpu.dma_semaphore, #tpu.memory_space<semaphore_mem>>) src(%arg6 : memref<65536xi32, #tpu.memory_space<vmem>>) dst(%dma_wait3A_43 : memref<65536xi32, #tpu.memory_space<hbm>>)
      tpu.yield
    }) : () -> ()
    return
  }
}

module attributes {stable_mosaic.version = 14 : i64} {
  func.func @_dec_body(%arg0: memref<32x512x128xi32, #tpu.memory_space<vmem>>, %arg1: memref<8x128xf32, #tpu.memory_space<vmem>>, %arg2: memref<1x1xf32, #tpu.memory_space<smem>>) attributes {dimension_semantics = [], scalar_prefetch = 0 : i64, scratch_operands = 0 : i64, tpu.core_type = #tpu.core_type<tc>} {
    %get3A = arith.constant 0 : index
    %get3A_0 = arith.constant 0 : index
    %get3A_1 = arith.constant 0 : index
    %get3A_2 = vector.load %arg0[%get3A, %get3A_0, %get3A_1] : memref<32x512x128xi32, #tpu.memory_space<vmem>>, vector<32x512x128xi32>
    %reduce_sum3A = arith.constant dense<0> : vector<512x128xi32>
    %reduce_sum3A_3 = vector.multi_reduction <add>, %get3A_2, %reduce_sum3A [0] : vector<32x512x128xi32> to vector<512x128xi32>
    %slice3A = vector.extract_strided_slice %reduce_sum3A_3 {offsets = [256, 0], sizes = [256, 128], strides = [1, 1]} : vector<512x128xi32> to vector<256x128xi32>
    %convert_element_type3A = arith.sitofp %slice3A : vector<256x128xi32> to vector<256x128xf32>
    %iota3A = tpu.iota {dimensions = array<i32: 0>} : vector<256x256xi32>
    %iota3A_4 = tpu.iota {dimensions = array<i32: 1>} : vector<256x256xi32>
    %add3A = arith.addi %iota3A, %iota3A_4 : vector<256x256xi32>
    %eq3A = arith.constant 255 : i32
    %eq3A_5 = vector.broadcast %eq3A : i32 to vector<256x256xi32>
    %eq3A_6 = arith.cmpi eq, %add3A, %eq3A_5 : vector<256x256xi32>
    %convert_element_type3A_7 = arith.extui %eq3A_6 : vector<256x256xi1> to vector<256x256xi32>
    %convert_element_type3A_8 = arith.sitofp %convert_element_type3A_7 : vector<256x256xi32> to vector<256x256xf32>
    %iota3A_9 = tpu.iota {dimensions = array<i32: 0>} : vector<128x128xi32>
    %iota3A_10 = tpu.iota {dimensions = array<i32: 1>} : vector<128x128xi32>
    %add3A_11 = arith.addi %iota3A_9, %iota3A_10 : vector<128x128xi32>
    %eq3A_12 = arith.constant 127 : i32
    %eq3A_13 = vector.broadcast %eq3A_12 : i32 to vector<128x128xi32>
    %eq3A_14 = arith.cmpi eq, %add3A_11, %eq3A_13 : vector<128x128xi32>
    %convert_element_type3A_15 = arith.extui %eq3A_14 : vector<128x128xi1> to vector<128x128xi32>
    %convert_element_type3A_16 = arith.sitofp %convert_element_type3A_15 : vector<128x128xi32> to vector<128x128xf32>
    %dot_general3A = arith.constant dense<0.000000e+00> : vector<256x128xf32>
    %dot_general3A_17 = tpu.matmul %convert_element_type3A, %convert_element_type3A_16, %dot_general3A {dimension_numbers = #tpu.dot_dimension_numbers<[1], [0], [0], [1], [0, 0, 1, 1], [], []>, transpose_lhs_hint = false} : vector<256x128xf32>, vector<128x128xf32>, vector<256x128xf32> -> vector<256x128xf32>
    %dot_general3A_18 = arith.constant dense<0.000000e+00> : vector<256x128xf32>
    %dot_general3A_19 = tpu.matmul %convert_element_type3A_8, %dot_general3A_17, %dot_general3A_18 {dimension_numbers = #tpu.dot_dimension_numbers<[1], [0], [0], [1], [0, 0, 1, 1], [], []>, transpose_lhs_hint = false} : vector<256x256xf32>, vector<256x128xf32>, vector<256x128xf32> -> vector<256x128xf32>
    %slice3A_20 = vector.extract_strided_slice %reduce_sum3A_3 {offsets = [0, 0], sizes = [256, 128], strides = [1, 1]} : vector<512x128xi32> to vector<256x128xi32>
    %convert_element_type3A_21 = arith.sitofp %slice3A_20 : vector<256x128xi32> to vector<256x128xf32>
    %concatenate3A = tpu.concatenate %dot_general3A_19, %convert_element_type3A_21 in 0 : vector<256x128xf32>, vector<256x128xf32> -> vector<512x128xf32>
    %convert_element_type3A_22 = arith.fptosi %concatenate3A : vector<512x128xf32> to vector<512x128xi32>
    %iota3A_23 = tpu.iota {dimensions = array<i32: 0>} : vector<128x128xi32>
    %iota3A_24 = tpu.iota {dimensions = array<i32: 1>} : vector<128x128xi32>
    %le3A = arith.cmpi sle, %iota3A_23, %iota3A_24 : vector<128x128xi32>
    %convert_element_type3A_25 = arith.extui %le3A : vector<128x128xi1> to vector<128x128xi32>
    %convert_element_type3A_26 = arith.sitofp %convert_element_type3A_25 : vector<128x128xi32> to vector<128x128xf32>
    %dot_general3A_27 = arith.constant dense<0.000000e+00> : vector<512x128xf32>
    %dot_general3A_28 = tpu.matmul %concatenate3A, %convert_element_type3A_26, %dot_general3A_27 {dimension_numbers = #tpu.dot_dimension_numbers<[1], [0], [0], [1], [0, 0, 1, 1], [], []>, transpose_lhs_hint = false} : vector<512x128xf32>, vector<128x128xf32>, vector<512x128xf32> -> vector<512x128xf32>
    %slice3A_29 = vector.extract_strided_slice %dot_general3A_28 {offsets = [0, 127], sizes = [512, 1], strides = [1, 1]} : vector<512x128xf32> to vector<512x1xf32>
    %iota3A_30 = tpu.iota {dimensions = array<i32: 0>} : vector<512x512xi32>
    %iota3A_31 = tpu.iota {dimensions = array<i32: 1>} : vector<512x512xi32>
    %lt3A = arith.cmpi slt, %iota3A_31, %iota3A_30 : vector<512x512xi32>
    %convert_element_type3A_32 = arith.extui %lt3A : vector<512x512xi1> to vector<512x512xi32>
    %convert_element_type3A_33 = arith.sitofp %convert_element_type3A_32 : vector<512x512xi32> to vector<512x512xf32>
    %dot_general3A_34 = arith.constant dense<0.000000e+00> : vector<512x1xf32>
    %dot_general3A_35 = tpu.matmul %convert_element_type3A_33, %slice3A_29, %dot_general3A_34 {dimension_numbers = #tpu.dot_dimension_numbers<[1], [0], [0], [1], [0, 0, 1, 1], [], []>, transpose_lhs_hint = false} : vector<512x512xf32>, vector<512x1xf32>, vector<512x1xf32> -> vector<512x1xf32>
    %add3A_36 = vector.broadcast %dot_general3A_35 : vector<512x1xf32> to vector<512x128xf32>
    %add3A_37 = arith.addf %dot_general3A_28, %add3A_36 : vector<512x128xf32>
    %iota3A_38 = tpu.iota {dimensions = array<i32: 0>} : vector<512x128xi32>
    %iota3A_39 = tpu.iota {dimensions = array<i32: 1>} : vector<512x128xi32>
    %mul3A = arith.constant 128 : i32
    %mul3A_40 = vector.broadcast %mul3A : i32 to vector<512x128xi32>
    %mul3A_41 = arith.muli %iota3A_38, %mul3A_40 : vector<512x128xi32>
    %add3A_42 = arith.addi %mul3A_41, %iota3A_39 : vector<512x128xi32>
    %lt3A_43 = arith.constant 0x4A4CCCCC : f32
    %lt3A_44 = vector.broadcast %lt3A_43 : f32 to vector<512x128xf32>
    %lt3A_45 = arith.cmpf olt, %add3A_37, %lt3A_44 : vector<512x128xf32>
    %convert_element_type3A_46 = arith.extui %lt3A_45 : vector<512x128xi1> to vector<512x128xi32>
    %reduce_sum3A_47 = vector.shape_cast %convert_element_type3A_46 : vector<512x128xi32> to vector<1x512x128xi32>
    %reduce_sum3A_48 = arith.constant dense<0> : vector<1xi32>
    %reduce_sum3A_49 = vector.multi_reduction <add>, %reduce_sum3A_47, %reduce_sum3A_48 [1, 2] : vector<1x512x128xi32> to vector<1xi32>
    %reduce_sum3A_50 = vector.shape_cast %reduce_sum3A_49 : vector<1xi32> to vector<1x1x1xi32>
    %reduce_sum3A_51 = vector.extract %reduce_sum3A_50[0, 0, 0] : i32 from vector<1x1x1xi32>
    %lt3A_52 = arith.constant 0x4C733334 : f32
    %lt3A_53 = vector.broadcast %lt3A_52 : f32 to vector<512x128xf32>
    %lt3A_54 = arith.cmpf olt, %add3A_37, %lt3A_53 : vector<512x128xf32>
    %convert_element_type3A_55 = arith.extui %lt3A_54 : vector<512x128xi1> to vector<512x128xi32>
    %reduce_sum3A_56 = vector.shape_cast %convert_element_type3A_55 : vector<512x128xi32> to vector<1x512x128xi32>
    %reduce_sum3A_57 = arith.constant dense<0> : vector<1xi32>
    %reduce_sum3A_58 = vector.multi_reduction <add>, %reduce_sum3A_56, %reduce_sum3A_57 [1, 2] : vector<1x512x128xi32> to vector<1xi32>
    %reduce_sum3A_59 = vector.shape_cast %reduce_sum3A_58 : vector<1xi32> to vector<1x1x1xi32>
    %reduce_sum3A_60 = vector.extract %reduce_sum3A_59[0, 0, 0] : i32 from vector<1x1x1xi32>
    %jit3A = arith.constant 0 : i32
    %broadcast_in_dim3A = vector.broadcast %jit3A : i32 to vector<512x128xi32>
    %select_n3A = arith.select %lt3A_54, %convert_element_type3A_22, %broadcast_in_dim3A : vector<512x128xi1>, vector<512x128xi32>
    %reduce_sum3A_61 = vector.shape_cast %select_n3A : vector<512x128xi32> to vector<1x512x128xi32>
    %reduce_sum3A_62 = arith.constant dense<0> : vector<1xi32>
    %reduce_sum3A_63 = vector.multi_reduction <add>, %reduce_sum3A_61, %reduce_sum3A_62 [1, 2] : vector<1x512x128xi32> to vector<1xi32>
    %reduce_sum3A_64 = vector.shape_cast %reduce_sum3A_63 : vector<1xi32> to vector<1x1x1xi32>
    %reduce_sum3A_65 = vector.extract %reduce_sum3A_64[0, 0, 0] : i32 from vector<1x1x1xi32>
    %ge3A = arith.constant 32768 : i32
    %ge3A_66 = vector.broadcast %ge3A : i32 to vector<512x128xi32>
    %ge3A_67 = arith.cmpi sge, %add3A_42, %ge3A_66 : vector<512x128xi32>
    %sub3A = arith.constant 32768 : i32
    %sub3A_68 = vector.broadcast %sub3A : i32 to vector<512x128xi32>
    %sub3A_69 = arith.subi %add3A_42, %sub3A_68 : vector<512x128xi32>
    %sub3A_70 = arith.constant 65535 : i32
    %sub3A_71 = vector.broadcast %sub3A_70 : i32 to vector<512x128xi32>
    %sub3A_72 = arith.subi %sub3A_71, %add3A_42 : vector<512x128xi32>
    %select_n3A_73 = arith.select %ge3A_67, %sub3A_69, %sub3A_72 : vector<512x128xi1>, vector<512x128xi32>
    %shift_left3A = arith.constant 16 : i32
    %shift_left3A_74 = vector.broadcast %shift_left3A : i32 to vector<512x128xi32>
    %shift_left3A_75 = arith.shli %select_n3A_73, %shift_left3A_74 : vector<512x128xi32>
    %or3A = arith.constant 32768 : i32
    %or3A_76 = vector.broadcast %or3A : i32 to vector<512x128xi32>
    %or3A_77 = arith.ori %shift_left3A_75, %or3A_76 : vector<512x128xi32>
    %bitcast_convert_type3A = tpu.bitcast %or3A_77 : vector<512x128xi32> -> vector<512x128xf32>
    %abs3A = math.absf %bitcast_convert_type3A : vector<512x128xf32>
    %lt3A_78 = arith.constant 3.000000e+38 : f32
    %lt3A_79 = vector.broadcast %lt3A_78 : f32 to vector<512x128xf32>
    %lt3A_80 = arith.cmpf olt, %abs3A, %lt3A_79 : vector<512x128xf32>
    %jit3A_81 = arith.constant 0.000000e+00 : f32
    %broadcast_in_dim3A_82 = vector.broadcast %jit3A_81 : f32 to vector<512x128xf32>
    %select_n3A_83 = arith.select %lt3A_80, %abs3A, %broadcast_in_dim3A_82 : vector<512x128xi1>, vector<512x128xf32>
    %eq3A_84 = vector.broadcast %reduce_sum3A_51 : i32 to vector<512x128xi32>
    %eq3A_85 = arith.cmpi eq, %add3A_42, %eq3A_84 : vector<512x128xi32>
    %eq3A_86 = vector.broadcast %reduce_sum3A_60 : i32 to vector<512x128xi32>
    %eq3A_87 = arith.cmpi eq, %add3A_42, %eq3A_86 : vector<512x128xi32>
    %jit3A_88 = arith.constant 0.000000e+00 : f32
    %broadcast_in_dim3A_89 = vector.broadcast %jit3A_88 : f32 to vector<512x128xf32>
    %select_n3A_90 = arith.select %eq3A_85, %add3A_37, %broadcast_in_dim3A_89 : vector<512x128xi1>, vector<512x128xf32>
    %reduce_sum3A_91 = vector.shape_cast %select_n3A_90 : vector<512x128xf32> to vector<1x512x128xf32>
    %reduce_sum3A_92 = arith.constant dense<0.000000e+00> : vector<1xf32>
    %reduce_sum3A_93 = vector.multi_reduction <add>, %reduce_sum3A_91, %reduce_sum3A_92 [1, 2] : vector<1x512x128xf32> to vector<1xf32>
    %reduce_sum3A_94 = vector.shape_cast %reduce_sum3A_93 : vector<1xf32> to vector<1x1x1xf32>
    %reduce_sum3A_95 = vector.extract %reduce_sum3A_94[0, 0, 0] : f32 from vector<1x1x1xf32>
    %jit3A_96 = arith.constant 0.000000e+00 : f32
    %broadcast_in_dim3A_97 = vector.broadcast %jit3A_96 : f32 to vector<512x128xf32>
    %select_n3A_98 = arith.select %eq3A_85, %concatenate3A, %broadcast_in_dim3A_97 : vector<512x128xi1>, vector<512x128xf32>
    %reduce_sum3A_99 = vector.shape_cast %select_n3A_98 : vector<512x128xf32> to vector<1x512x128xf32>
    %reduce_sum3A_100 = arith.constant dense<0.000000e+00> : vector<1xf32>
    %reduce_sum3A_101 = vector.multi_reduction <add>, %reduce_sum3A_99, %reduce_sum3A_100 [1, 2] : vector<1x512x128xf32> to vector<1xf32>
    %reduce_sum3A_102 = vector.shape_cast %reduce_sum3A_101 : vector<1xf32> to vector<1x1x1xf32>
    %reduce_sum3A_103 = vector.extract %reduce_sum3A_102[0, 0, 0] : f32 from vector<1x1x1xf32>
    %jit3A_104 = arith.constant 0.000000e+00 : f32
    %broadcast_in_dim3A_105 = vector.broadcast %jit3A_104 : f32 to vector<512x128xf32>
    %select_n3A_106 = arith.select %eq3A_87, %concatenate3A, %broadcast_in_dim3A_105 : vector<512x128xi1>, vector<512x128xf32>
    %reduce_sum3A_107 = vector.shape_cast %select_n3A_106 : vector<512x128xf32> to vector<1x512x128xf32>
    %reduce_sum3A_108 = arith.constant dense<0.000000e+00> : vector<1xf32>
    %reduce_sum3A_109 = vector.multi_reduction <add>, %reduce_sum3A_107, %reduce_sum3A_108 [1, 2] : vector<1x512x128xf32> to vector<1xf32>
    %reduce_sum3A_110 = vector.shape_cast %reduce_sum3A_109 : vector<1xf32> to vector<1x1x1xf32>
    %reduce_sum3A_111 = vector.extract %reduce_sum3A_110[0, 0, 0] : f32 from vector<1x1x1xf32>
    %jit3A_112 = arith.constant 0.000000e+00 : f32
    %broadcast_in_dim3A_113 = vector.broadcast %jit3A_112 : f32 to vector<512x128xf32>
    %select_n3A_114 = arith.select %eq3A_85, %select_n3A_83, %broadcast_in_dim3A_113 : vector<512x128xi1>, vector<512x128xf32>
    %reduce_sum3A_115 = vector.shape_cast %select_n3A_114 : vector<512x128xf32> to vector<1x512x128xf32>
    %reduce_sum3A_116 = arith.constant dense<0.000000e+00> : vector<1xf32>
    %reduce_sum3A_117 = vector.multi_reduction <add>, %reduce_sum3A_115, %reduce_sum3A_116 [1, 2] : vector<1x512x128xf32> to vector<1xf32>
    %reduce_sum3A_118 = vector.shape_cast %reduce_sum3A_117 : vector<1xf32> to vector<1x1x1xf32>
    %reduce_sum3A_119 = vector.extract %reduce_sum3A_118[0, 0, 0] : f32 from vector<1x1x1xf32>
    %jit3A_120 = arith.constant 0.000000e+00 : f32
    %broadcast_in_dim3A_121 = vector.broadcast %jit3A_120 : f32 to vector<512x128xf32>
    %select_n3A_122 = arith.select %eq3A_87, %select_n3A_83, %broadcast_in_dim3A_121 : vector<512x128xi1>, vector<512x128xf32>
    %reduce_sum3A_123 = vector.shape_cast %select_n3A_122 : vector<512x128xf32> to vector<1x512x128xf32>
    %reduce_sum3A_124 = arith.constant dense<0.000000e+00> : vector<1xf32>
    %reduce_sum3A_125 = vector.multi_reduction <add>, %reduce_sum3A_123, %reduce_sum3A_124 [1, 2] : vector<1x512x128xf32> to vector<1xf32>
    %reduce_sum3A_126 = vector.shape_cast %reduce_sum3A_125 : vector<1xf32> to vector<1x1x1xf32>
    %reduce_sum3A_127 = vector.extract %reduce_sum3A_126[0, 0, 0] : f32 from vector<1x1x1xf32>
    %sub3A_128 = arith.constant 0x4A4CCCCC : f32
    %sub3A_129 = arith.subf %reduce_sum3A_95, %sub3A_128 : f32
    %add3A_130 = arith.constant 1.000000e+00 : f32
    %add3A_131 = arith.addf %sub3A_129, %add3A_130 : f32
    %jit3A_132 = arith.constant 0.000000e+00 : f32
    %max3A = arith.maximumf %jit3A_132, %add3A_131 : f32
    %min3A = arith.minimumf %reduce_sum3A_103, %max3A : f32
    %sub3A_133 = arith.constant 63753422 : i32
    %sub3A_134 = arith.subi %sub3A_133, %reduce_sum3A_65 : i32
    %convert_element_type3A_135 = arith.sitofp %sub3A_134 : i32 to f32
    %jit3A_136 = arith.constant 0.000000e+00 : f32
    %max3A_137 = arith.maximumf %jit3A_136, %convert_element_type3A_135 : f32
    %min3A_138 = arith.minimumf %reduce_sum3A_111, %max3A_137 : f32
    %gt3A = vector.broadcast %reduce_sum3A_51 : i32 to vector<512x128xi32>
    %gt3A_139 = arith.cmpi sgt, %add3A_42, %gt3A : vector<512x128xi32>
    %lt3A_140 = vector.broadcast %reduce_sum3A_60 : i32 to vector<512x128xi32>
    %lt3A_141 = arith.cmpi slt, %add3A_42, %lt3A_140 : vector<512x128xi32>
    %and3A = arith.andi %gt3A_139, %lt3A_141 : vector<512x128xi1>
    %mul3A_142 = arith.mulf %concatenate3A, %select_n3A_83 : vector<512x128xf32>
    %jit3A_143 = arith.constant 0.000000e+00 : f32
    %broadcast_in_dim3A_144 = vector.broadcast %jit3A_143 : f32 to vector<512x128xf32>
    %select_n3A_145 = arith.select %and3A, %mul3A_142, %broadcast_in_dim3A_144 : vector<512x128xi1>, vector<512x128xf32>
    %reduce_sum3A_146 = vector.shape_cast %select_n3A_145 : vector<512x128xf32> to vector<1x512x128xf32>
    %reduce_sum3A_147 = arith.constant dense<0.000000e+00> : vector<1xf32>
    %reduce_sum3A_148 = vector.multi_reduction <add>, %reduce_sum3A_146, %reduce_sum3A_147 [1, 2] : vector<1x512x128xf32> to vector<1xf32>
    %reduce_sum3A_149 = vector.shape_cast %reduce_sum3A_148 : vector<1xf32> to vector<1x1x1xf32>
    %reduce_sum3A_150 = vector.extract %reduce_sum3A_149[0, 0, 0] : f32 from vector<1x1x1xf32>
    %mul3A_151 = arith.mulf %min3A, %reduce_sum3A_119 : f32
    %add3A_152 = arith.addf %reduce_sum3A_150, %mul3A_151 : f32
    %mul3A_153 = arith.mulf %min3A_138, %reduce_sum3A_127 : f32
    %add3A_154 = arith.addf %add3A_152, %mul3A_153 : f32
    %get3A_155 = arith.constant 0 : index
    %get3A_156 = arith.constant 0 : index
    %get3A_157 = vector.load %arg1[%get3A_155, %get3A_156] : memref<8x128xf32, #tpu.memory_space<vmem>>, vector<8x128xf32>
    %reduce_sum3A_158 = vector.shape_cast %get3A_157 : vector<8x128xf32> to vector<1x8x128xf32>
    %reduce_sum3A_159 = arith.constant dense<0.000000e+00> : vector<1xf32>
    %reduce_sum3A_160 = vector.multi_reduction <add>, %reduce_sum3A_158, %reduce_sum3A_159 [1, 2] : vector<1x8x128xf32> to vector<1xf32>
    %reduce_sum3A_161 = vector.shape_cast %reduce_sum3A_160 : vector<1xf32> to vector<1x1x1xf32>
    %reduce_sum3A_162 = vector.extract %reduce_sum3A_161[0, 0, 0] : f32 from vector<1x1x1xf32>
    %div3A = arith.constant 1.024000e+03 : f32
    %div3A_163 = arith.divf %reduce_sum3A_162, %div3A : f32
    %sub3A_164 = arith.constant 1.000000e+00 : f32
    %sub3A_165 = arith.subf %sub3A_164, %div3A_163 : f32
    %div3A_166 = arith.constant 0x4C800000 : f32
    %div3A_167 = arith.divf %add3A_154, %div3A_166 : f32
    %add3A_168 = arith.addf %sub3A_165, %div3A_167 : f32
    %swap3A = arith.constant 0 : index
    %swap3A_169 = arith.constant 0 : index
    %swap3A_170 = memref.load %arg2[%swap3A, %swap3A_169] : memref<1x1xf32, #tpu.memory_space<smem>>
    memref.store %add3A_168, %arg2[%swap3A, %swap3A_169] : memref<1x1xf32, #tpu.memory_space<smem>>
    return
  }
}

</mosaic_0001>

<sc_bundles>
// kernel: kernel.4.cloned.1.call-start
scs
__scs_entry_jumppad:
0x0: {  	(pc) =	sbr.rel $0x88, $3  }
0x1: {  	(tag) =	ssettag $0x0;
	lr =	simm.s32 $0x1  }
0x2: {  	[smem:$0x3F9F] =	sst lr;
	_ =	strace $0xD0000000  }
0x3: {  	_ = 	snop  }
0x4: {  	_ = 	snop  }
0x5: {  	_ = 	snop  }
0x6: {  	_ = 	snop  }
0x7: {  	_ = 	snop  }
__scs_overlays_trampoline_lowered:
0x8: {  	[smem:$0x3FAE] =	sst s0  }
0x9: {  	[smem:$0x3FAF] =	sst s1  }
0xa: {  	[smem:$0x3FB0] =	sst s2  }
0xb: {  	[smem:$0x3FB1] =	sst s3  }
0xc: {  	[smem:$0x3FB2] =	sst s4  }
0xd: {  	[smem:$0x3FB3] =	sst s5  }
0xe: {  	[smem:$0x3FB4] =	sst s6  }
0xf: {  	[smem:$0x3FB5] =	sst s7  }
0x10: {  	[smem:$0x3FB6] =	sst s8  }
0x11: {  	[smem:$0x3FB7] =	sst s9;
	s0 =	simm.s32 @!p0 $0x0  }
0x12: {  	s1 =	sld [smem:$0x3F9D];
	s0 =	simm.s32 @p0 $0x1  }
0x13: {  	[smem:$0x3FB8] =	sst s0;
	s0 =	simm.s32 @!p1 $0x0  }
0x14: {  	s2 =	sld [smem:$0x3F9C];
	s0 =	simm.s32 @p1 $0x1  }
0x15: {  	[smem:$0x3FB9] =	sst s0;
	s0 =	simm.s32 @!p2 $0x0  }
0x16: {  	s3 =	sld [smem:$0x3FDB];
	s0 =	simm.s32 @p2 $0x1  }
0x17: {  	s4 =	simm.s32 $0x1BF5;
	[smem:$0x3FBB] =	sst s0  }
0x18: {  	s0 =	sld [smem:$0x3F9E];
	_ =	swait.ge [sflag:s4], $0x0  }
0x19: {  	s7 =	sld [smem:$0x3F9F]  }
0x1a: {  	s8 =	sadd.s32 $0xFFFFE003, lr  }
0x1b: {  	s9 =	sadd.s32 $0xFFFFFEF7, lr;
	s5 =	simm.s32 $0xFFFFFFFF;
	p2 =	slt.u32 s8, $0xFFFFF086  }
0x1c: {  	p1 =	slt.u32 s9, $0xF7A;
	s5 =	simm.s32 @!p2 $0x0  }
0x1d: {  	s5 =	simm.s32 @p1 $0x1;
	p0 =	seq.s32 s7, s2  }
0x1e: {  	s7 =	smul.u32 @!p0 $0xF7A, s2;
	p2 =	seq.s32 @!p0 s5, $0x0  }
0x1f: {  	s9 =	smul.u32 $0xF7A, s1;
	s8 =	simm.s32 @!p0 $0x1BF5;
	p2 =	por !p2, p0  }
0x20: {  	[sflag:s8] =	ssyncset.s32 @!p0 $0xFFFFF086;
	s6 =	sadd.s32 @!p0 s3, s7;
	s7 =	simm.s32 @!p0 $0x108  }
0x21: {  	s3 =	sadd.s32 s3, s9;
	s6 =	sadd.s32 @!p0 $0x88, s6;
	s7 =	simm.s32 @p2 $0x1082  }
0x22: {  	[simem:s7], [sflag:s8] =	dma.local @!p0 [hbm:s6], $0xF7A  }
0x23: {  	s9 =	sor.u32 $0xD0000000, s2;
	s6 =	simm.s32 $0x108;
	_ =	swait.ge @!p0 [sflag:s8], $0x0  }
0x24: {  	s3 =	sadd.s32 $0x88, s3;
	s6 =	simm.s32 @!p1 $0x1082;
	[sflag:s4] =	ssyncset.s32 $0xFFFFF086  }
0x25: {  	[simem:s6], [sflag:s4] =	dma.local [hbm:s3], $0xF7A  }
0x26: {  	[smem:$0x3F9F] =	sst s1;
	(tag) =	ssettag s2;
	_ =	strace s9  }
0x27: {  	s1 =	sld [smem:$0x3FAF]  }
0x28: {  	s2 =	sld [smem:$0x3FB0]  }
0x29: {  	s4 =	sld [smem:$0x3FB2]  }
0x2a: {  	p0 =	seq.s32 s5, $0x0;
	s5 =	sld [smem:$0x3FB3]  }
0x2b: {  	s6 =	sld [smem:$0x3FB4]  }
0x2c: {  	s7 =	sld [smem:$0x3FB5]  }
0x2d: {  	s3 =	simm.s32 $0x108;
	s8 =	sld [smem:$0x3FB6]  }
0x2e: {  	s3 =	simm.s32 @!p0 $0x1082;
	s9 =	sld [smem:$0x3FB7]  }
0x2f: {  	lr =	sadd.s32 s0, s3;
	s0 =	sld [smem:$0x3FAE]  }
0x30: {  	s3 =	sld [smem:$0x3FB1]  }
0x31: {  	[smem:$0x3FBA] =	sst s10  }
0x32: {  	s10 =	sld [smem:$0x3FB8];
	_ =	sdelay $0x3  }
0x33: {  	p0 =	seq.s32 s10, $0x1;
	s10 =	sld [smem:$0x3FBA];
	_ =	sdelay $0x3  }
0x34: {  	[smem:$0x3FBA] =	sst s10  }
0x35: {  	s10 =	sld [smem:$0x3FB9];
	_ =	sdelay $0x3  }
0x36: {  	p1 =	seq.s32 s10, $0x1;
	s10 =	sld [smem:$0x3FBA];
	_ =	sdelay $0x3  }
0x37: {  	[smem:$0x3FBA] =	sst s10  }
0x38: {  	s10 =	sld [smem:$0x3FBB]  }
0x39: {  	_ = 	snop;
	(pc) =	sbr.ind lr, $3  }
0x3a: {  	_ = 	snop  }
0x3b: {  	_ = 	snop  }
0x3c: {  	p2 =	seq.s32 s10, $0x1;
	s10 =	sld [smem:$0x3FBA]  }
0x3d: {  	_ =	shalt  }
0x3e: {  	_ =	shalt  }
0x3f: {  	_ =	shalt  }
0x40: {  	_ =	shalt  }
0x41: {  	_ =	shalt  }
0x42: {  	_ =	shalt  }
0x43: {  	_ =	shalt  }
0x44: {  	_ =	shalt  }
0x45: {  	_ =	shalt  }
0x46: {  	_ =	shalt  }
0x47: {  	_ =	shalt  }
0x48: {  	_ =	shalt  }
0x49: {  	_ =	shalt  }
0x4a: {  	_ =	shalt  }
0x4b: {  	_ =	shalt  }
0x4c: {  	_ =	shalt  }
0x4d: {  	_ =	shalt  }
0x4e: {  	_ =	shalt  }
0x4f: {  	_ =	shalt  }
0x50: {  	_ =	shalt  }
0x51: {  	_ =	shalt  }
0x52: {  	_ =	shalt  }
0x53: {  	_ =	shalt  }
0x54: {  	_ =	shalt  }
0x55: {  	_ =	shalt  }
0x56: {  	_ =	shalt  }
0x57: {  	_ =	shalt  }
0x58: {  	_ =	shalt  }
0x59: {  	_ =	shalt  }
0x5a: {  	_ =	shalt  }
0x5b: {  	_ =	shalt  }
0x5c: {  	_ =	shalt  }
0x5d: {  	_ =	shalt  }
0x5e: {  	_ =	shalt  }
0x5f: {  	_ =	shalt  }
0x60: {  	_ =	shalt  }
0x61: {  	_ =	shalt  }
0x62: {  	_ =	shalt  }
0x63: {  	_ =	shalt  }
0x64: {  	_ =	shalt  }
0x65: {  	_ =	shalt  }
0x66: {  	_ =	shalt  }
0x67: {  	_ =	shalt  }
0x68: {  	_ =	shalt  }
0x69: {  	_ =	shalt  }
0x6a: {  	_ =	shalt  }
0x6b: {  	_ =	shalt  }
0x6c: {  	_ =	shalt  }
0x6d: {  	_ =	shalt  }
0x6e: {  	_ =	shalt  }
0x6f: {  	_ =	shalt  }
0x70: {  	_ =	shalt  }
0x71: {  	_ =	shalt  }
0x72: {  	_ =	shalt  }
0x73: {  	_ =	shalt  }
0x74: {  	_ =	shalt  }
0x75: {  	_ =	shalt  }
0x76: {  	_ =	shalt  }
0x77: {  	_ =	shalt  }
0x78: {  	_ =	shalt  }
0x79: {  	_ =	shalt  }
0x7a: {  	_ =	shalt  }
0x7b: {  	_ =	shalt  }
0x7c: {  	_ =	shalt  }
0x7d: {  	_ =	shalt  }
0x7e: {  	_ =	shalt  }
0x7f: {  	_ =	shalt  }
0x80: {  	_ =	shalt  }
0x81: {  	_ =	shalt  }
0x82: {  	_ =	shalt  }
0x83: {  	_ =	shalt  }
0x84: {  	_ =	shalt  }
0x85: {  	_ =	shalt  }
0x86: {  	_ =	shalt  }
0x87: {  	_ =	shalt  }
.Lfunc_end0:
.L_simem_size_0:
called_computation_lowered:
.L_overlay_start_0:
0x88: {  	s2 =	sld [smem:$0x3FD9]  }
0x89: {  	s3 =	sld [smem:$0x3FFE];
	_ =	sdelay $0x1  }
0x8a: {  	s1 =	srdreg.scid  }
0x8b: {  	s0 =	sand.u32 $0x1, s1  }
0x8c: {  	s17 =	sshll.u32 s0, $0xA;
	s2 =	sadd.s32 s3, s2  }
0x8d: {  	s2 =	sadd.s32 s2, s17  }
0x8e: {  	[smem:$0x3FC6] =	sst s2  }
0x8f: {  	_ = 	snop  }
0x90: {  	s2 =	sld [smem:$0x3FC8];
	(tm) =	ssettm $0x1  }
0x91: {  	s18 =	sld [smem:$0x3FFB];
	_ =	sdelay $0x3  }
0x92: {  	_ =	strace s18  }
0x93: {  	s3 =	sld [smem:$0x3FFC];
	_ =	sdelay $0x3  }
0x94: {  	_ =	strace s3  }
0x95: {  	s3 =	sld [smem:$0x3FFD];
	_ =	sdelay $0x3  }
0x96: {  	_ =	strace s3  }
0x97: {  	_ =	strace $0x8FFFFFFF  }
0x98: {  	s19 =	sld [smem:$0x3FDB];
	_ =	sdelay $0x1  }
0x99: {  	s4 =	simm.s32 $_scs_section_size  }
0x9a: {  	s5 =	simm.s32 $_size__tile_overlayer_lowered;
	s6 =	simm.s32 $_tile_overlayer_lowered  }
0x9b: {  	s22 =	simm.s32 $0x1BFF;
	s21 =	sshll.u32 s6, $0x1;
	s3 =	sadd.s32 s4, s19  }
0x9c: {  	s7 =	simm.s32 $0x0;
	s20 =	sshll.u32 s5, $0x1;
	s5 =	sadd.s32 s21, s3  }
0x9d: {  	[timem:s7], [sflag:s22] =	dma.local [hbm:s5], s20  }
0x9e: {  	_ =	swait.ge [sflag:s22], s20  }
0x9f: {  	s4 =	ssub.s32 $0x0, s20;
	[sflag:s22] =	ssyncset.done $0x0  }
0xa0: {  	[sflag:s22] =	ssyncadd.s32 s4;
	_ =	sdelay $0x1  }
0xa1: {  	s23 =	simm.s32 $0x1B8B  }
0xa2: {  	_ =	swait.ge [sflag:s23], $0x1  }
0xa3: {  	[sflag:s23] =	ssyncset.done $0x0  }
0xa4: {  	s25 =	simm.s32 $0x1B8E;
	s24 =	sld [smem:$0x3FFE];
	[sflag:s23] =	ssyncadd.s32 $0xFFFFFFFF  }
0xa5: {  	s26 =	simm.s32 $execute0_lowered;
	[smem:$0x3FD2] =	sst s25  }
0xa6: {  	s5 =	sshll.u32 s26, $0x1;
	_ =	strace $0x80000046;
	[dreg:$0x1] =	wrdreg $0xFFFFFFFF  }
0xa7: {  	s28 =	simm.s32 $_size_execute0_lowered;
	s3 =	sadd.s32 s3, s5;
	[dreg:$0x0] =	wrdreg $0x0  }
0xa8: {  	s5 =	sshll.u32 s28, $0x1;
	[dreg:$0x2] =	wrdreg s3  }
0xa9: {  	[dreg:$0x3] =	wrdreg s5  }
0xaa: {  	[dreg:$0x4] =	wrdreg $0xC0  }
0xab: {  	_ =	task [dreg:s7], $0x5FFFF  }
0xac: {  	[dreg:$0x1] =	wrdreg $0xFFFFFFFF  }
0xad: {  	[dreg:$0x0] =	wrdreg $0x60  }
0xae: {  	[dreg:$0x2] =	wrdreg s2  }
0xaf: {  	[dreg:$0x3] =	wrdreg s24  }
0xb0: {  	[dreg:$0x4] =	wrdreg $0x9  }
0xb1: {  	_ =	task.clear_ibuf [dreg:s7], $0x5FFFF;
	_ =	strace $0x90000046  }
0xb2: {  	s29 =	simm.s32 $0x9;
	_ =	strace $0x80000048  }
0xb3: {  	_ =	swait.ge [sflag:s29], $0x1  }
0xb4: {  	[sflag:s29] =	ssyncadd.s32 $0xFFFFFFFF  }
0xb5: {  	_ =	strace $0x90000048  }
0xb6: {  	_ =	sfence  }
0xb7: {  	s30 =	sld [smem:$0x0];
	_ =	sdelay $0x2  }
0xb8: {  	s31 =	sshll.u32 s1, $0xD;
	s1 =	sshrl.u32 s1, $0x2  }
0xb9: {  	s3 =	sand.u32 $0x4000, s31;
	s1 =	sadd.s32 s1, s30  }
0xba: {  	s0 =	sor.u32 s3, s0;
	s1 =	sshll.u32 s1, $0x11  }
0xbb: {  	s0 =	sor.u32 s1, s0  }
0xbc: {  	s0 =	sadd.s32 $0x8F2B, s0  }
0xbd: {  	[sflag:s0] =	ssyncadd.remote.s32 $0x1  }
0xbe: {  	_ =	sfence.sel $0xFFFF  }
0xbf: {  	[dreg:$0x0] =	wrdreg $0xFFFFFFFF;
	(pc) =	sbr.abs _section_cstart, $3  }
0xc0: {  	[dreg:$0x1] =	wrdreg $0xFFFFFFFF  }
0xc1: {  	_ =	task.clear_ibuf [dreg:s7], $0x2FFFF;
	_ =	strace $0x9FFFFFFF  }
0xc2: {  	(tm) =	ssettm $0x7FFFFFFF  }
0xc3: {  	_ =	shalt  }
tec
execute0_lowered:
.L_overlay_start_1:
0x0: {  	(tag) =	ssettag $0x1  }
0x1: {  	s2 =	rddreg [dreg:$0x0]  }
0x2: {  	s4 =	rddreg [dreg:$0x1]  }
0x3: {  	s0 =	rddreg [dreg:$0x2]  }
0x4: {  	s3 =	simm.s32 $0x0;
	s1 =	stileid.u32;
	s5 =	srdreg.scid  }
0x5: {  	s9 =	simm.s32 $0x1;
	s10 =	simm.s32 $0x8000;
	s11 =	simm.s32 $0x2  }
0x6: {  	s12 =	simm.s32 $0x80;
	s13 =	simm.s32 $0x400;
	s14 =	simm.s32 $0x3  }
0x7: {  	s15 =	simm.s32 $0x0;
	[smem:$0x7FF] =	sst s3;
	s5 =	sand.u32 $0x1, s5  }
0x8: {  	s6 =	sshll.u32 s1, $0x1;
	s7 =	sshll.u32 s1, $0xE;
	_ =	strace $0x80000047  }
0x9: {  	s6 =	sor.u32 s5, s6;
	s7 =	sand.u32 $0x30000, s7;
	s5 =	ssub.s32 $0x2, s5  }
0xa: {  	s8 =	sshll.u32 s6, $0x4;
	s4 =	sadd.s32 s7, s4;
	s30 =	sshrl.u32 s5, $0x1  }
0xb: {  	s31 =	sshll.u32 s6, $0x12;
	s8 =	sand.u32 $0x70, s8;
	s7 =	ssub.s32 s5, s30  }
0xc: {  	s5 =	sadd.s32 s2, s31;
	s8 =	sadd.s32 s8, s4;
	s4 =	sshll.u32 s6, $0x5  }
0xd: {  	v0 =	vimm.s32 $0x0;
	v1 =	vimm.s32 $0x1;
	s7 =	smax.u32 s7, $0x1;
	s6 =	sadd.s32 $0x600, s8;
	s8 =	simm.s32 $0x4000  }
.LBB2_1:
0xe: {  	[tilespmem:s3], [sflag:$0x1] =	stream.linear.gather [hbm4b:s5+s3], $0x4000, $0x38;
	[tilespmem:$0x18000] =	vst v63  }
0xf: {  	s16 =	simm.s32 $0x8040  }
0x10: {  	[tilespmem:s16+$0xFFFFFFC0] =	vst v0  }
0x11: {  	[tilespmem:s16+$0x30] =	vst v0  }
0x12: {  	[tilespmem:s16+$0x20] =	vst v0  }
0x13: {  	[tilespmem:s16+$0x10] =	vst v0  }
0x14: {  	[tilespmem:s16+$0x0] =	vst v0  }
0x15: {  	[tilespmem:s16+$0xFFFFFFF0] =	vst v0  }
0x16: {  	s17 =	simm.s32 $0x0;
	[tilespmem:s16+$0xFFFFFFE0] =	vst v0  }
.LBB2_2:
0x17: {  	s17 =	sadd.s32 $0x8, s17;
	[tilespmem:s16+$0xFFFFFFD0] =	vst v0;
	s16 =	sadd.s32 $0x80, s16  }
0x18: {  	[tilespmem:s16+$0xFFFFFFC0] =	vst v0;
	p0 =	slt.u32 s17, $0xFF8  }
0x19: {  	[tilespmem:s16+$0x30] =	vst v0  }
.Ltmp0:
0x1a: {  	[tilespmem:s16+$0x20] =	vst v0;
	(pc) =	sbr.rel @p0 .LBB2_2-.Ltmp0, $4  }
0x1b: {  	[tilespmem:s16+$0x10] =	vst v0  }
0x1c: {  	[tilespmem:s16+$0x0] =	vst v0  }
0x1d: {  	[tilespmem:s16+$0xFFFFFFF0] =	vst v0  }
0x1e: {  	[tilespmem:s16+$0xFFFFFFE0] =	vst v0  }
0x1f: {  	[tilespmem:s16+$0xFFFFFFD0] =	vst v0;
	s16 =	simm.s32 $0x0  }
.LBB2_4:
0x20: {  	s17 =	sshrl.u32 s16, $0x1  }
0x21: {  	s18 =	sshll.u32 s16, $0xC;
	s17 =	sand.u32 $0x18, s17  }
0x22: {  	s18 =	sand.u32 $0xF000, s18;
	s17 =	sor.u32 s4, s17  }
0x23: {  	s18 =	sadd.s32 s18, s2;
	s17 =	sshll.u32 s17, $0xD  }
0x24: {  	s17 =	sadd.s32 s17, s18  }
0x25: {  	s17 =	sadd.s32 $0x800, s17  }
0x26: {  	[tilespmem:s8], [sflag:$0x2] =	stream.linear.gather [hbm4b:s17+s3], $0x4000, $0x38;
	[tilespmem:$0x18000] =	vst v63  }
0x27: {  	_ =	swait.ge [sflag:s9], $0x4000  }
0x28: {  	[sflag:s9] =	ssyncset.done $0x0  }
0x29: {  	s31 =	simm.s32 $0x200;
	[sflag:s9] =	ssyncadd.s32 $0xFFFFC000  }
0x2a: {  	v2 =	vld [tilespmem:s31+$0xFFFFFE70]  }
0x2b: {  	v3 =	vld [tilespmem:s31+$0xFFFFFE10]  }
0x2c: {  	v4 =	vld [tilespmem:s31+$0xFFFFFE20]  }
0x2d: {  	v5 =	vld [tilespmem:s31+$0xFFFFFE30];
	_ =	sdelay $0x1  }
0x2e: {  	v7 =	vld [tilespmem:s31+$0xFFFFFE50];
	v2 =	vshrl.u32 v2, $0x10  }
0x2f: {  	v8 =	vld [tilespmem:s31+$0xFFFFFE00];
	v3 =	vshrl.u32 v3, $0x10  }
0x30: {  	v4 =	vshrl.u32 v4, $0x10  }
0x31: {  	v6 =	vld [tilespmem:s31+$0xFFFFFE40];
	v5 =	vshrl.u32 v5, $0x10  }
0x32: {  	v9 =	vld [tilespmem:s31+$0xFFFFFE60]  }
0x33: {  	v7 =	vshrl.u32 v7, $0x10;
	[tilespmem:v2+s10+$0x0] =	vst.idx.add.s32.msk $0xffff, v1  }
0x34: {  	v8 =	vshrl.u32 v8, $0x10;
	[tilespmem:v3+s10+$0x0] =	vst.idx.add.s32.msk $0xffff, v1  }
0x35: {  	[tilespmem:v4+s10+$0x0] =	vst.idx.add.s32.msk $0xffff, v1  }
0x36: {  	[tilespmem:v5+s10+$0x0] =	vst.idx.add.s32.msk $0xffff, v1  }
0x37: {  	v2 =	vshrl.u32 v6, $0x10;
	v6 =	vld [tilespmem:s31+$0xFFFFFEF0]  }
0x38: {  	[tilespmem:v7+s10+$0x0] =	vst.idx.add.s32.msk $0xffff, v1;
	v3 =	vshrl.u32 v9, $0x10  }
0x39: {  	[tilespmem:v8+s10+$0x0] =	vst.idx.add.s32.msk $0xffff, v1  }
0x3a: {  	v4 =	vld [tilespmem:s31+$0xFFFFFE80]  }
0x3b: {  	v5 =	vld [tilespmem:s31+$0xFFFFFE90]  }
0x3c: {  	[tilespmem:v2+s10+$0x0] =	vst.idx.add.s32.msk $0xffff, v1;
	v2 =	vshrl.u32 v6, $0x10  }
0x3d: {  	[tilespmem:v3+s10+$0x0] =	vst.idx.add.s32.msk $0xffff, v1  }
0x3e: {  	v3 =	vld [tilespmem:s31+$0xFFFFFEA0]  }
0x3f: {  	v6 =	vld [tilespmem:s31+$0xFFFFFEB0]  }
0x40: {  	v4 =	vshrl.u32 v4, $0x10;
	v7 =	vld [tilespmem:s31+$0xFFFFFEC0]  }
0x41: {  	v5 =	vshrl.u32 v5, $0x10;
	[tilespmem:v2+s10+$0x0] =	vst.idx.add.s32.msk $0xffff, v1  }
0x42: {  	v2 =	vld [tilespmem:s31+$0xFFFFFF70];
	_ =	sdelay $0x1  }
0x43: {  	v8 =	vld [tilespmem:s31+$0xFFFFFED0];
	v3 =	vshrl.u32 v3, $0x10  }
0x44: {  	[tilespmem:v4+s10+$0x0] =	vst.idx.add.s32.msk $0xffff, v1;
	v4 =	vshrl.u32 v6, $0x10  }
0x45: {  	[tilespmem:v5+s10+$0x0] =	vst.idx.add.s32.msk $0xffff, v1;
	v5 =	vshrl.u32 v7, $0x10  }
0x46: {  	v58 =	vld [tilespmem:s31+$0xFFFFFEE0];
	v2 =	vshrl.u32 v2, $0x10  }
0x47: {  	v6 =	vld [tilespmem:s31+$0xFFFFFF00]  }
0x48: {  	v7 =	vshrl.u32 v8, $0x10;
	[tilespmem:v3+s10+$0x0] =	vst.idx.add.s32.msk $0xffff, v1  }
0x49: {  	[tilespmem:v4+s10+$0x0] =	vst.idx.add.s32.msk $0xffff, v1  }
0x4a: {  	[tilespmem:v5+s10+$0x0] =	vst.idx.add.s32.msk $0xffff, v1  }
0x4b: {  	[tilespmem:v2+s10+$0x0] =	vst.idx.add.s32.msk $0xffff, v1  }
0x4c: {  	v2 =	vshrl.u32 v58, $0x10;
	v8 =	vld [tilespmem:s31+$0xFFFFFFF0]  }
0x4d: {  	[tilespmem:v7+s10+$0x0] =	vst.idx.add.s32.msk $0xffff, v1  }
0x4e: {  	v4 =	vld [tilespmem:s31+$0xFFFFFF20];
	v6 =	vshrl.u32 v6, $0x10  }
0x4f: {  	v5 =	vld [tilespmem:s31+$0xFFFFFF30]  }
0x50: {  	v7 =	vld [tilespmem:s31+$0xFFFFFF40]  }
0x51: {  	[tilespmem:v2+s10+$0x0] =	vst.idx.add.s32.msk $0xffff, v1;
	v2 =	vshrl.u32 v8, $0x10  }
0x52: {  	v3 =	vld [tilespmem:s31+$0xFFFFFF10]  }
0x53: {  	[tilespmem:v6+s10+$0x0] =	vst.idx.add.s32.msk $0xffff, v1  }
0x54: {  	v4 =	vshrl.u32 v4, $0x10;
	v8 =	vld [tilespmem:s31+$0xFFFFFF50]  }
0x55: {  	v5 =	vshrl.u32 v5, $0x10;
	v59 =	vld [tilespmem:s31+$0xFFFFFF60]  }
0x56: {  	v6 =	vshrl.u32 v7, $0x10;
	[tilespmem:v2+s10+$0x0] =	vst.idx.add.s32.msk $0xffff, v1  }
0x57: {  	v2 =	vshrl.u32 v3, $0x10;
	v3 =	vld [tilespmem:s31+$0x70]  }
0x58: {  	v7 =	vld [tilespmem:s31+$0xFFFFFF80]  }
0x59: {  	[tilespmem:v4+s10+$0x0] =	vst.idx.add.s32.msk $0xffff, v1  }
0x5a: {  	[tilespmem:v5+s10+$0x0] =	vst.idx.add.s32.msk $0xffff, v1;
	v4 =	vshrl.u32 v59, $0x10  }
0x5b: {  	[tilespmem:v6+s10+$0x0] =	vst.idx.add.s32.msk $0xffff, v1  }
0x5c: {  	[tilespmem:v2+s10+$0x0] =	vst.idx.add.s32.msk $0xffff, v1;
	v2 =	vshrl.u32 v3, $0x10;
	v3 =	vshrl.u32 v8, $0x10  }
0x5d: {  	v6 =	vld [tilespmem:s31+$0xFFFFFFB0]  }
0x5e: {  	v5 =	vld [tilespmem:s31+$0xFFFFFF90]  }
0x5f: {  	[tilespmem:v4+s10+$0x0] =	vst.idx.add.s32.msk $0xffff, v1  }
0x60: {  	v4 =	vld [tilespmem:s31+$0xFFFFFFA0]  }
0x61: {  	[tilespmem:v3+s10+$0x0] =	vst.idx.add.s32.msk $0xffff, v1;
	v3 =	vshrl.u32 v7, $0x10  }
0x62: {  	[tilespmem:v2+s10+$0x0] =	vst.idx.add.s32.msk $0xffff, v1  }
0x63: {  	v5 =	vshrl.u32 v5, $0x10;
	v7 =	vld [tilespmem:s31+$0xFFFFFFC0]  }
0x64: {  	v2 =	vld [tilespmem:s31+$0xF0];
	_ =	sdelay $0x1  }
0x65: {  	[tilespmem:v3+s10+$0x0] =	vst.idx.add.s32.msk $0xffff, v1;
	v3 =	vshrl.u32 v4, $0x10  }
0x66: {  	v60 =	vld [tilespmem:s31+$0xFFFFFFE0];
	v4 =	vshrl.u32 v6, $0x10  }
0x67: {  	[tilespmem:v5+s10+$0x0] =	vst.idx.add.s32.msk $0xffff, v1;
	v5 =	vshrl.u32 v7, $0x10  }
0x68: {  	v8 =	vld [tilespmem:s31+$0xFFFFFFD0];
	v2 =	vshrl.u32 v2, $0x10  }
0x69: {  	v7 =	vld [tilespmem:s31+$0x0]  }
0x6a: {  	[tilespmem:v3+s10+$0x0] =	vst.idx.add.s32.msk $0xffff, v1  }
0x6b: {  	[tilespmem:v4+s10+$0x0] =	vst.idx.add.s32.msk $0xffff, v1;
	v3 =	vshrl.u32 v60, $0x10  }
0x6c: {  	[tilespmem:v5+s10+$0x0] =	vst.idx.add.s32.msk $0xffff, v1  }
0x6d: {  	[tilespmem:v2+s10+$0x0] =	vst.idx.add.s32.msk $0xffff, v1;
	v2 =	vshrl.u32 v8, $0x10  }
0x6e: {  	v4 =	vld [tilespmem:s31+$0x20]  }
0x6f: {  	v6 =	vld [tilespmem:s31+$0x170]  }
0x70: {  	[tilespmem:v3+s10+$0x0] =	vst.idx.add.s32.msk $0xffff, v1  }
0x71: {  	v3 =	vld [tilespmem:s31+$0x40]  }
0x72: {  	v7 =	vshrl.u32 v7, $0x10;
	[tilespmem:v2+s10+$0x0] =	vst.idx.add.s32.msk $0xffff, v1  }
0x73: {  	v2 =	vld [tilespmem:s31+$0x10]  }
0x74: {  	v5 =	vshrl.u32 v6, $0x10;
	v6 =	vld [tilespmem:s31+$0x30]  }
0x75: {  	v4 =	vshrl.u32 v4, $0x10  }
0x76: {  	v61 =	vld [tilespmem:s31+$0x60]  }
0x77: {  	[tilespmem:v7+s10+$0x0] =	vst.idx.add.s32.msk $0xffff, v1;
	v3 =	vshrl.u32 v3, $0x10  }
0x78: {  	v8 =	vld [tilespmem:s31+$0x50];
	v2 =	vshrl.u32 v2, $0x10  }
0x79: {  	[tilespmem:v5+s10+$0x0] =	vst.idx.add.s32.msk $0xffff, v1;
	v5 =	vshrl.u32 v6, $0x10  }
0x7a: {  	[tilespmem:v4+s10+$0x0] =	vst.idx.add.s32.msk $0xffff, v1  }
0x7b: {  	v4 =	vshrl.u32 v61, $0x10;
	v6 =	vld [tilespmem:s31+$0x80]  }
0x7c: {  	[tilespmem:v3+s10+$0x0] =	vst.idx.add.s32.msk $0xffff, v1  }
0x7d: {  	[tilespmem:v2+s10+$0x0] =	vst.idx.add.s32.msk $0xffff, v1  }
0x7e: {  	[tilespmem:v5+s10+$0x0] =	vst.idx.add.s32.msk $0xffff, v1  }
0x7f: {  	v2 =	vshrl.u32 v8, $0x10;
	v5 =	vld [tilespmem:s31+$0x90]  }
0x80: {  	[tilespmem:v4+s10+$0x0] =	vst.idx.add.s32.msk $0xffff, v1  }
0x81: {  	v8 =	vld [tilespmem:s31+$0xE0]  }
0x82: {  	v3 =	vshrl.u32 v6, $0x10;
	v6 =	vld [tilespmem:s31+$0xC0]  }
0x83: {  	v4 =	vld [tilespmem:s31+$0xB0]  }
0x84: {  	[tilespmem:v2+s10+$0x0] =	vst.idx.add.s32.msk $0xffff, v1;
	v5 =	vshrl.u32 v5, $0x10  }
0x85: {  	v2 =	vld [tilespmem:s31+$0xA0]  }
0x86: {  	v7 =	vld [tilespmem:s31+$0xD0];
	v8 =	vshrl.u32 v8, $0x10  }
0x87: {  	v62 =	vld [tilespmem:s31+$0x1F0]  }
0x88: {  	[tilespmem:v3+s10+$0x0] =	vst.idx.add.s32.msk $0xffff, v1;
	v3 =	vshrl.u32 v4, $0x10  }
0x89: {  	v4 =	vshrl.u32 v6, $0x10;
	[tilespmem:v5+s10+$0x0] =	vst.idx.add.s32.msk $0xffff, v1  }
0x8a: {  	v2 =	vshrl.u32 v2, $0x10;
	v5 =	vld [tilespmem:s31+$0x100]  }
0x8b: {  	v6 =	vshrl.u32 v7, $0x10;
	[tilespmem:v8+s10+$0x0] =	vst.idx.add.s32.msk $0xffff, v1  }
0x8c: {  	v7 =	vld [tilespmem:s31+$0x110]  }
0x8d: {  	[tilespmem:v3+s10+$0x0] =	vst.idx.add.s32.msk $0xffff, v1  }
0x8e: {  	[tilespmem:v4+s10+$0x0] =	vst.idx.add.s32.msk $0xffff, v1  }
0x8f: {  	[tilespmem:v2+s10+$0x0] =	vst.idx.add.s32.msk $0xffff, v1  }
0x90: {  	[tilespmem:v6+s10+$0x0] =	vst.idx.add.s32.msk $0xffff, v1  }
0x91: {  	v2 =	vshrl.u32 v62, $0x10;
	v3 =	vld [tilespmem:s31+$0x120]  }
0x92: {  	v4 =	vshrl.u32 v5, $0x10;
	v5 =	vld [tilespmem:s31+$0x130]  }
0x93: {  	v6 =	vshrl.u32 v7, $0x10;
	v7 =	vld [tilespmem:s31+$0x140]  }
0x94: {  	v8 =	vld [tilespmem:s31+$0x150]  }
0x95: {  	v63 =	vld [tilespmem:s31+$0x160]  }
0x96: {  	[tilespmem:v2+s10+$0x0] =	vst.idx.add.s32.msk $0xffff, v1;
	v2 =	vshrl.u32 v3, $0x10  }
0x97: {  	[tilespmem:v4+s10+$0x0] =	vst.idx.add.s32.msk $0xffff, v1;
	v3 =	vshrl.u32 v5, $0x10  }
0x98: {  	[tilespmem:v6+s10+$0x0] =	vst.idx.add.s32.msk $0xffff, v1;
	v4 =	vshrl.u32 v7, $0x10  }
0x99: {  	v5 =	vld [tilespmem:s31+$0x180];
	v6 =	vshrl.u32 v8, $0x10  }
0x9a: {  	v8 =	vshrl.u32 v63, $0x10;
	v7 =	vld [tilespmem:s31+$0x190]  }
0x9b: {  	[tilespmem:v2+s10+$0x0] =	vst.idx.add.s32.msk $0xffff, v1  }
0x9c: {  	[tilespmem:v3+s10+$0x0] =	vst.idx.add.s32.msk $0xffff, v1  }
0x9d: {  	[tilespmem:v4+s10+$0x0] =	vst.idx.add.s32.msk $0xffff, v1  }
0x9e: {  	[tilespmem:v6+s10+$0x0] =	vst.idx.add.s32.msk $0xffff, v1  }
0x9f: {  	[tilespmem:v8+s10+$0x0] =	vst.idx.add.s32.msk $0xffff, v1  }
0xa0: {  	v4 =	vshrl.u32 v5, $0x10;
	v5 =	vld [tilespmem:s31+$0x1A0]  }
0xa1: {  	v8 =	vld [tilespmem:s31+$0x1B0];
	v7 =	vshrl.u32 v7, $0x10  }
0xa2: {  	v6 =	vld [tilespmem:s31+$0x1C0]  }
0xa3: {  	v3 =	vld [tilespmem:s31+$0x1D0]  }
0xa4: {  	v2 =	vld [tilespmem:s31+$0x1E0]  }
0xa5: {  	[tilespmem:v4+s10+$0x0] =	vst.idx.add.s32.msk $0xffff, v1  }
0xa6: {  	s18 =	simm.s32 $0x600;
	s17 =	simm.s32 $0x0;
	v4 =	vshrl.u32 v5, $0x10;
	v5 =	vshrl.u32 v8, $0x10;
	[tilespmem:v7+s10+$0x0] =	vst.idx.add.s32.msk $0xffff, v1  }
.LBB2_5:
0xa7: {  	v7 =	vld [tilespmem:s18+$0xFFFFFE70];
	s17 =	sadd.s32 $0x8, s17;
	v6 =	vshrl.u32 v6, $0x10  }
0xa8: {  	v8 =	vld [tilespmem:s18+$0xFFFFFE10];
	p0 =	slt.u32 s17, $0x78;
	v3 =	vshrl.u32 v3, $0x10  }
0xa9: {  	v9 =	vld [tilespmem:s18+$0xFFFFFE20];
	v2 =	vshrl.u32 v2, $0x10  }
0xaa: {  	v10 =	vld [tilespmem:s18+$0xFFFFFE30]  }
0xab: {  	v11 =	vld [tilespmem:s18+$0xFFFFFE40]  }
0xac: {  	v12 =	vld [tilespmem:s18+$0xFFFFFE50];
	v7 =	vshrl.u32 v7, $0x10  }
0xad: {  	v8 =	vshrl.u32 v8, $0x10;
	v13 =	vld [tilespmem:s18+$0xFFFFFE60]  }
0xae: {  	v14 =	vld [tilespmem:s18+$0xFFFFFE00];
	v9 =	vshrl.u32 v9, $0x10  }
0xaf: {  	v10 =	vshrl.u32 v10, $0x10;
	[tilespmem:v4+s10+$0x0] =	vst.idx.add.s32.msk $0xffff, v1  }
0xb0: {  	v4 =	vshrl.u32 v11, $0x10;
	[tilespmem:v5+s10+$0x0] =	vst.idx.add.s32.msk $0xffff, v1  }
0xb1: {  	v5 =	vshrl.u32 v12, $0x10;
	[tilespmem:v7+s10+$0x0] =	vst.idx.add.s32.msk $0xffff, v1  }
0xb2: {  	v7 =	vshrl.u32 v13, $0x10;
	v11 =	vld [tilespmem:s18+$0xFFFFFEF0]  }
0xb3: {  	v12 =	vshrl.u32 v14, $0x10;
	[tilespmem:v8+s10+$0x0] =	vst.idx.add.s32.msk $0xffff, v1  }
0xb4: {  	[tilespmem:v9+s10+$0x0] =	vst.idx.add.s32.msk $0xffff, v1  }
0xb5: {  	[tilespmem:v10+s10+$0x0] =	vst.idx.add.s32.msk $0xffff, v1  }
0xb6: {  	[tilespmem:v4+s10+$0x0] =	vst.idx.add.s32.msk $0xffff, v1  }
0xb7: {  	[tilespmem:v5+s10+$0x0] =	vst.idx.add.s32.msk $0xffff, v1;
	v4 =	vshrl.u32 v11, $0x10  }
0xb8: {  	[tilespmem:v12+s10+$0x0] =	vst.idx.add.s32.msk $0xffff, v1  }
0xb9: {  	[tilespmem:v7+s10+$0x0] =	vst.idx.add.s32.msk $0xffff, v1  }
0xba: {  	v5 =	vld [tilespmem:s18+$0xFFFFFE80]  }
0xbb: {  	v7 =	vld [tilespmem:s18+$0xFFFFFE90]  }
0xbc: {  	[tilespmem:v4+s10+$0x0] =	vst.idx.add.s32.msk $0xffff, v1  }
0xbd: {  	v4 =	vld [tilespmem:s18+$0xFFFFFF70]  }
0xbe: {  	v8 =	vld [tilespmem:s18+$0xFFFFFEA0]  }
0xbf: {  	v5 =	vshrl.u32 v5, $0x10;
	v9 =	vld [tilespmem:s18+$0xFFFFFEB0]  }
0xc0: {  	v7 =	vshrl.u32 v7, $0x10;
	v10 =	vld [tilespmem:s18+$0xFFFFFEC0]  }
0xc1: {  	v11 =	vld [tilespmem:s18+$0xFFFFFED0]  }
0xc2: {  	v12 =	vld [tilespmem:s18+$0xFFFFFEE0];
	v4 =	vshrl.u32 v4, $0x10  }
0xc3: {  	v8 =	vshrl.u32 v8, $0x10;
	[tilespmem:v6+s10+$0x0] =	vst.idx.add.s32.msk $0xffff, v1  }
0xc4: {  	[tilespmem:v5+s10+$0x0] =	vst.idx.add.s32.msk $0xffff, v1;
	v5 =	vshrl.u32 v9, $0x10  }
0xc5: {  	[tilespmem:v7+s10+$0x0] =	vst.idx.add.s32.msk $0xffff, v1;
	v6 =	vshrl.u32 v10, $0x10  }
0xc6: {  	v7 =	vld [tilespmem:s18+$0xFFFFFF00];
	v9 =	vshrl.u32 v11, $0x10  }
0xc7: {  	v10 =	vshrl.u32 v12, $0x10;
	[tilespmem:v4+s10+$0x0] =	vst.idx.add.s32.msk $0xffff, v1  }
0xc8: {  	v4 =	vld [tilespmem:s18+$0xFFFFFFF0]  }
0xc9: {  	[tilespmem:v8+s10+$0x0] =	vst.idx.add.s32.msk $0xffff, v1  }
0xca: {  	[tilespmem:v5+s10+$0x0] =	vst.idx.add.s32.msk $0xffff, v1  }
0xcb: {  	v5 =	vshrl.u32 v7, $0x10;
	[tilespmem:v6+s10+$0x0] =	vst.idx.add.s32.msk $0xffff, v1  }
0xcc: {  	[tilespmem:v9+s10+$0x0] =	vst.idx.add.s32.msk $0xffff, v1  }
0xcd: {  	[tilespmem:v10+s10+$0x0] =	vst.idx.add.s32.msk $0xffff, v1;
	v4 =	vshrl.u32 v4, $0x10  }
0xce: {  	v6 =	vld [tilespmem:s18+$0xFFFFFF10]  }
0xcf: {  	v7 =	vld [tilespmem:s18+$0xFFFFFF20]  }
0xd0: {  	v8 =	vld [tilespmem:s18+$0xFFFFFF30]  }
0xd1: {  	v9 =	vld [tilespmem:s18+$0xFFFFFF40]  }
0xd2: {  	[tilespmem:v4+s10+$0x0] =	vst.idx.add.s32.msk $0xffff, v1  }
0xd3: {  	v4 =	vshrl.u32 v6, $0x10;
	v6 =	vld [tilespmem:s18+$0x70]  }
0xd4: {  	v7 =	vshrl.u32 v7, $0x10;
	v10 =	vld [tilespmem:s18+$0xFFFFFF50]  }
0xd5: {  	v8 =	vshrl.u32 v8, $0x10;
	v11 =	vld [tilespmem:s18+$0xFFFFFF60]  }
0xd6: {  	[tilespmem:v5+s10+$0x0] =	vst.idx.add.s32.msk $0xffff, v1;
	v5 =	vshrl.u32 v9, $0x10  }
0xd7: {  	v9 =	vld [tilespmem:s18+$0xFFFFFF80]  }
0xd8: {  	[tilespmem:v4+s10+$0x0] =	vst.idx.add.s32.msk $0xffff, v1;
	v4 =	vshrl.u32 v6, $0x10  }
0xd9: {  	[tilespmem:v7+s10+$0x0] =	vst.idx.add.s32.msk $0xffff, v1;
	v6 =	vshrl.u32 v10, $0x10  }
0xda: {  	[tilespmem:v8+s10+$0x0] =	vst.idx.add.s32.msk $0xffff, v1;
	v7 =	vshrl.u32 v11, $0x10  }
0xdb: {  	[tilespmem:v5+s10+$0x0] =	vst.idx.add.s32.msk $0xffff, v1  }
0xdc: {  	v5 =	vshrl.u32 v9, $0x10;
	v8 =	vld [tilespmem:s18+$0xFFFFFF90]  }
0xdd: {  	[tilespmem:v4+s10+$0x0] =	vst.idx.add.s32.msk $0xffff, v1  }
0xde: {  	v4 =	vld [tilespmem:s18+$0xF0]  }
0xdf: {  	[tilespmem:v6+s10+$0x0] =	vst.idx.add.s32.msk $0xffff, v1  }
0xe0: {  	[tilespmem:v7+s10+$0x0] =	vst.idx.add.s32.msk $0xffff, v1  }
0xe1: {  	v6 =	vshrl.u32 v8, $0x10;
	v7 =	vld [tilespmem:s18+$0xFFFFFFA0]  }
0xe2: {  	v8 =	vld [tilespmem:s18+$0xFFFFFFB0]  }
0xe3: {  	v9 =	vld [tilespmem:s18+$0xFFFFFFC0];
	v4 =	vshrl.u32 v4, $0x10  }
0xe4: {  	v10 =	vld [tilespmem:s18+$0xFFFFFFD0]  }
0xe5: {  	v11 =	vld [tilespmem:s18+$0xFFFFFFE0]  }
0xe6: {  	[tilespmem:v5+s10+$0x0] =	vst.idx.add.s32.msk $0xffff, v1;
	v5 =	vshrl.u32 v7, $0x10  }
0xe7: {  	[tilespmem:v6+s10+$0x0] =	vst.idx.add.s32.msk $0xffff, v1;
	v6 =	vshrl.u32 v8, $0x10  }
0xe8: {  	v7 =	vshrl.u32 v9, $0x10;
	[tilespmem:v4+s10+$0x0] =	vst.idx.add.s32.msk $0xffff, v1  }
0xe9: {  	v4 =	vshrl.u32 v10, $0x10;
	v8 =	vld [tilespmem:s18+$0x170]  }
0xea: {  	v9 =	vld [tilespmem:s18+$0x0];
	v10 =	vshrl.u32 v11, $0x10  }
0xeb: {  	[tilespmem:v5+s10+$0x0] =	vst.idx.add.s32.msk $0xffff, v1  }
0xec: {  	[tilespmem:v6+s10+$0x0] =	vst.idx.add.s32.msk $0xffff, v1  }
0xed: {  	[tilespmem:v7+s10+$0x0] =	vst.idx.add.s32.msk $0xffff, v1  }
0xee: {  	[tilespmem:v4+s10+$0x0] =	vst.idx.add.s32.msk $0xffff, v1;
	v4 =	vshrl.u32 v8, $0x10  }
0xef: {  	v5 =	vshrl.u32 v9, $0x10;
	[tilespmem:v10+s10+$0x0] =	vst.idx.add.s32.msk $0xffff, v1  }
0xf0: {  	v6 =	vld [tilespmem:s18+$0x10]  }
0xf1: {  	v7 =	vld [tilespmem:s18+$0x20]  }
0xf2: {  	v8 =	vld [tilespmem:s18+$0x30]  }
0xf3: {  	[tilespmem:v4+s10+$0x0] =	vst.idx.add.s32.msk $0xffff, v1  }
0xf4: {  	v4 =	vld [tilespmem:s18+$0x1F0]  }
0xf5: {  	v6 =	vshrl.u32 v6, $0x10;
	v9 =	vld [tilespmem:s18+$0x40]  }
0xf6: {  	v7 =	vshrl.u32 v7, $0x10;
	v10 =	vld [tilespmem:s18+$0x50]  }
0xf7: {  	v8 =	vshrl.u32 v8, $0x10;
	v11 =	vld [tilespmem:s18+$0x60]  }
0xf8: {  	[tilespmem:v5+s10+$0x0] =	vst.idx.add.s32.msk $0xffff, v1  }
0xf9: {  	v5 =	vld [tilespmem:s18+$0x80];
	v4 =	vshrl.u32 v4, $0x10  }
0xfa: {  	[tilespmem:v6+s10+$0x0] =	vst.idx.add.s32.msk $0xffff, v1;
	v6 =	vshrl.u32 v9, $0x10  }
0xfb: {  	[tilespmem:v7+s10+$0x0] =	vst.idx.add.s32.msk $0xffff, v1;
	v7 =	vshrl.u32 v10, $0x10  }
0xfc: {  	[tilespmem:v8+s10+$0x0] =	vst.idx.add.s32.msk $0xffff, v1;
	v8 =	vshrl.u32 v11, $0x10  }
0xfd: {  	v9 =	vld [tilespmem:s18+$0x90]  }
0xfe: {  	v5 =	vshrl.u32 v5, $0x10;
	[tilespmem:v4+s10+$0x0] =	vst.idx.add.s32.msk $0xffff, v1  }
0xff: {  	[tilespmem:v6+s10+$0x0] =	vst.idx.add.s32.msk $0xffff, v1  }
0x100: {  	[tilespmem:v7+s10+$0x0] =	vst.idx.add.s32.msk $0xffff, v1  }
0x101: {  	[tilespmem:v8+s10+$0x0] =	vst.idx.add.s32.msk $0xffff, v1  }
0x102: {  	v4 =	vshrl.u32 v9, $0x10;
	v6 =	vld [tilespmem:s18+$0xA0]  }
0x103: {  	v7 =	vld [tilespmem:s18+$0xB0]  }
0x104: {  	v8 =	vld [tilespmem:s18+$0xC0]  }
0x105: {  	v9 =	vld [tilespmem:s18+$0xD0]  }
0x106: {  	v10 =	vld [tilespmem:s18+$0xE0]  }
0x107: {  	[tilespmem:v5+s10+$0x0] =	vst.idx.add.s32.msk $0xffff, v1;
	v5 =	vshrl.u32 v6, $0x10  }
0x108: {  	[tilespmem:v4+s10+$0x0] =	vst.idx.add.s32.msk $0xffff, v1;
	v4 =	vshrl.u32 v7, $0x10  }
0x109: {  	v6 =	vld [tilespmem:s18+$0x100];
	v7 =	vshrl.u32 v8, $0x10  }
0x10a: {  	v8 =	vld [tilespmem:s18+$0x110];
	v9 =	vshrl.u32 v9, $0x10  }
0x10b: {  	v10 =	vshrl.u32 v10, $0x10;
	[tilespmem:v3+s10+$0x0] =	vst.idx.add.s32.msk $0xffff, v1  }
0x10c: {  	[tilespmem:v5+s10+$0x0] =	vst.idx.add.s32.msk $0xffff, v1  }
0x10d: {  	[tilespmem:v4+s10+$0x0] =	vst.idx.add.s32.msk $0xffff, v1  }
0x10e: {  	v3 =	vshrl.u32 v6, $0x10;
	[tilespmem:v7+s10+$0x0] =	vst.idx.add.s32.msk $0xffff, v1  }
0x10f: {  	v4 =	vshrl.u32 v8, $0x10;
	[tilespmem:v9+s10+$0x0] =	vst.idx.add.s32.msk $0xffff, v1  }
0x110: {  	[tilespmem:v10+s10+$0x0] =	vst.idx.add.s32.msk $0xffff, v1  }
0x111: {  	v5 =	vld [tilespmem:s18+$0x120]  }
0x112: {  	v6 =	vld [tilespmem:s18+$0x130]  }
0x113: {  	v7 =	vld [tilespmem:s18+$0x140]  }
0x114: {  	v8 =	vld [tilespmem:s18+$0x150]  }
0x115: {  	v9 =	vld [tilespmem:s18+$0x160]  }
0x116: {  	[tilespmem:v3+s10+$0x0] =	vst.idx.add.s32.msk $0xffff, v1;
	v3 =	vshrl.u32 v5, $0x10  }
0x117: {  	[tilespmem:v4+s10+$0x0] =	vst.idx.add.s32.msk $0xffff, v1;
	v4 =	vshrl.u32 v6, $0x10  }
0x118: {  	v5 =	vld [tilespmem:s18+$0x180];
	v6 =	vshrl.u32 v7, $0x10  }
0x119: {  	v7 =	vld [tilespmem:s18+$0x190];
	v8 =	vshrl.u32 v8, $0x10  }
0x11a: {  	v9 =	vshrl.u32 v9, $0x10;
	[tilespmem:v2+s10+$0x0] =	vst.idx.add.s32.msk $0xffff, v1  }
0x11b: {  	[tilespmem:v3+s10+$0x0] =	vst.idx.add.s32.msk $0xffff, v1  }
0x11c: {  	[tilespmem:v4+s10+$0x0] =	vst.idx.add.s32.msk $0xffff, v1  }
0x11d: {  	v4 =	vshrl.u32 v5, $0x10;
	[tilespmem:v6+s10+$0x0] =	vst.idx.add.s32.msk $0xffff, v1  }
0x11e: {  	v5 =	vshrl.u32 v7, $0x10;
	[tilespmem:v8+s10+$0x0] =	vst.idx.add.s32.msk $0xffff, v1  }
0x11f: {  	[tilespmem:v9+s10+$0x0] =	vst.idx.add.s32.msk $0xffff, v1  }
0x120: {  	v7 =	vld [tilespmem:s18+$0x1A0]  }
0x121: {  	v8 =	vld [tilespmem:s18+$0x1B0]  }
.Ltmp1:
0x122: {  	v6 =	vld [tilespmem:s18+$0x1C0];
	(pc) =	sbr.rel @p0 .LBB2_5-.Ltmp1, $4  }
0x123: {  	v3 =	vld [tilespmem:s18+$0x1D0]  }
0x124: {  	v2 =	vld [tilespmem:s18+$0x1E0]  }
0x125: {  	[tilespmem:v4+s10+$0x0] =	vst.idx.add.s32.msk $0xffff, v1;
	v4 =	vshrl.u32 v7, $0x10  }
0x126: {  	s18 =	sadd.s32 $0x400, s18;
	[tilespmem:v5+s10+$0x0] =	vst.idx.add.s32.msk $0xffff, v1;
	v5 =	vshrl.u32 v8, $0x10  }
0x127: {  	_ = 	snop  }
0x128: {  	v6 =	vshrl.u32 v6, $0x10;
	s17 =	sshll.u32 s16, $0x1  }
0x129: {  	v3 =	vshrl.u32 v3, $0x10;
	s17 =	smin.u32 s17, $0x7C  }
0x12a: {  	v2 =	vshrl.u32 v2, $0x10;
	s17 =	sadd.s32 $0x2, s17  }
0x12b: {  	[tilespmem:v4+s10+$0x0] =	vst.idx.add.s32.msk $0xffff, v1;
	s18 =	sshrl.u32 s17, $0x2  }
0x12c: {  	[tilespmem:v5+s10+$0x0] =	vst.idx.add.s32.msk $0xffff, v1;
	s17 =	sshll.u32 s17, $0xB;
	s18 =	sand.u32 $0x38, s18  }
0x12d: {  	s17 =	sand.u32 $0xF000, s17;
	[tilespmem:v6+s10+$0x0] =	vst.idx.add.s32.msk $0xffff, v1;
	s18 =	sadd.s32 s4, s18  }
0x12e: {  	s17 =	sadd.s32 s2, s17;
	[tilespmem:v3+s10+$0x0] =	vst.idx.add.s32.msk $0xffff, v1;
	s18 =	sshll.u32 s18, $0xD  }
0x12f: {  	[tilespmem:v2+s10+$0x0] =	vst.idx.add.s32.msk $0xffff, v1;
	s17 =	sadd.s32 s18, s17  }
0x130: {  	[tilespmem:s3], [sflag:$0x1] =	stream.linear.gather [hbm4b:s17+s3], $0x4000, $0x38;
	[tilespmem:$0x18000] =	vst v63  }
0x131: {  	_ =	swait.ge [sflag:s11], $0x4000  }
0x132: {  	[sflag:s11] =	ssyncset.done $0x0  }
0x133: {  	s31 =	simm.s32 $0x4200;
	[sflag:s11] =	ssyncadd.s32 $0xFFFFC000  }
0x134: {  	v2 =	vld [tilespmem:s31+$0xFFFFFE70]  }
0x135: {  	v3 =	vld [tilespmem:s31+$0xFFFFFE10]  }
0x136: {  	v4 =	vld [tilespmem:s31+$0xFFFFFE20]  }
0x137: {  	v5 =	vld [tilespmem:s31+$0xFFFFFE30];
	_ =	sdelay $0x1  }
0x138: {  	v7 =	vld [tilespmem:s31+$0xFFFFFE50];
	v2 =	vshrl.u32 v2, $0x10  }
0x139: {  	v8 =	vld [tilespmem:s31+$0xFFFFFE00];
	v3 =	vshrl.u32 v3, $0x10  }
0x13a: {  	v4 =	vshrl.u32 v4, $0x10  }
0x13b: {  	v6 =	vld [tilespmem:s31+$0xFFFFFE40];
	v5 =	vshrl.u32 v5, $0x10  }
0x13c: {  	v9 =	vld [tilespmem:s31+$0xFFFFFE60]  }
0x13d: {  	v7 =	vshrl.u32 v7, $0x10;
	[tilespmem:v2+s10+$0x0] =	vst.idx.add.s32.msk $0xffff, v1  }
0x13e: {  	v8 =	vshrl.u32 v8, $0x10;
	[tilespmem:v3+s10+$0x0] =	vst.idx.add.s32.msk $0xffff, v1  }
0x13f: {  	[tilespmem:v4+s10+$0x0] =	vst.idx.add.s32.msk $0xffff, v1  }
0x140: {  	[tilespmem:v5+s10+$0x0] =	vst.idx.add.s32.msk $0xffff, v1  }
0x141: {  	v2 =	vshrl.u32 v6, $0x10;
	v6 =	vld [tilespmem:s31+$0xFFFFFEF0]  }
0x142: {  	[tilespmem:v7+s10+$0x0] =	vst.idx.add.s32.msk $0xffff, v1;
	v3 =	vshrl.u32 v9, $0x10  }
0x143: {  	[tilespmem:v8+s10+$0x0] =	vst.idx.add.s32.msk $0xffff, v1  }
0x144: {  	v4 =	vld [tilespmem:s31+$0xFFFFFE80]  }
0x145: {  	v5 =	vld [tilespmem:s31+$0xFFFFFE90]  }
0x146: {  	[tilespmem:v2+s10+$0x0] =	vst.idx.add.s32.msk $0xffff, v1;
	v2 =	vshrl.u32 v6, $0x10  }
0x147: {  	[tilespmem:v3+s10+$0x0] =	vst.idx.add.s32.msk $0xffff, v1  }
0x148: {  	v3 =	vld [tilespmem:s31+$0xFFFFFEA0]  }
0x149: {  	v6 =	vld [tilespmem:s31+$0xFFFFFEB0]  }
0x14a: {  	v4 =	vshrl.u32 v4, $0x10;
	v7 =	vld [tilespmem:s31+$0xFFFFFEC0]  }
0x14b: {  	v5 =	vshrl.u32 v5, $0x10;
	[tilespmem:v2+s10+$0x0] =	vst.idx.add.s32.msk $0xffff, v1  }
0x14c: {  	v2 =	vld [tilespmem:s31+$0xFFFFFF70];
	_ =	sdelay $0x1  }
0x14d: {  	v8 =	vld [tilespmem:s31+$0xFFFFFED0];
	v3 =	vshrl.u32 v3, $0x10  }
0x14e: {  	[tilespmem:v4+s10+$0x0] =	vst.idx.add.s32.msk $0xffff, v1;
	v4 =	vshrl.u32 v6, $0x10  }
0x14f: {  	[tilespmem:v5+s10+$0x0] =	vst.idx.add.s32.msk $0xffff, v1;
	v5 =	vshrl.u32 v7, $0x10  }
0x150: {  	v58 =	vld [tilespmem:s31+$0xFFFFFEE0];
	v2 =	vshrl.u32 v2, $0x10  }
0x151: {  	v6 =	vld [tilespmem:s31+$0xFFFFFF00]  }
0x152: {  	v7 =	vshrl.u32 v8, $0x10;
	[tilespmem:v3+s10+$0x0] =	vst.idx.add.s32.msk $0xffff, v1  }
0x153: {  	[tilespmem:v4+s10+$0x0] =	vst.idx.add.s32.msk $0xffff, v1  }
0x154: {  	[tilespmem:v5+s10+$0x0] =	vst.idx.add.s32.msk $0xffff, v1  }
0x155: {  	[tilespmem:v2+s10+$0x0] =	vst.idx.add.s32.msk $0xffff, v1  }
0x156: {  	v2 =	vshrl.u32 v58, $0x10;
	v8 =	vld [tilespmem:s31+$0xFFFFFFF0]  }
0x157: {  	[tilespmem:v7+s10+$0x0] =	vst.idx.add.s32.msk $0xffff, v1  }
0x158: {  	v4 =	vld [tilespmem:s31+$0xFFFFFF20];
	v6 =	vshrl.u32 v6, $0x10  }
0x159: {  	v5 =	vld [tilespmem:s31+$0xFFFFFF30]  }
0x15a: {  	v7 =	vld [tilespmem:s31+$0xFFFFFF40]  }
0x15b: {  	[tilespmem:v2+s10+$0x0] =	vst.idx.add.s32.msk $0xffff, v1;
	v2 =	vshrl.u32 v8, $0x10  }
0x15c: {  	v3 =	vld [tilespmem:s31+$0xFFFFFF10]  }
0x15d: {  	[tilespmem:v6+s10+$0x0] =	vst.idx.add.s32.msk $0xffff, v1  }
0x15e: {  	v4 =	vshrl.u32 v4, $0x10;
	v8 =	vld [tilespmem:s31+$0xFFFFFF50]  }
0x15f: {  	v5 =	vshrl.u32 v5, $0x10;
	v59 =	vld [tilespmem:s31+$0xFFFFFF60]  }
0x160: {  	v6 =	vshrl.u32 v7, $0x10;
	[tilespmem:v2+s10+$0x0] =	vst.idx.add.s32.msk $0xffff, v1  }
0x161: {  	v2 =	vshrl.u32 v3, $0x10;
	v3 =	vld [tilespmem:s31+$0x70]  }
0x162: {  	v7 =	vld [tilespmem:s31+$0xFFFFFF80]  }
0x163: {  	[tilespmem:v4+s10+$0x0] =	vst.idx.add.s32.msk $0xffff, v1  }
0x164: {  	[tilespmem:v5+s10+$0x0] =	vst.idx.add.s32.msk $0xffff, v1;
	v4 =	vshrl.u32 v59, $0x10  }
0x165: {  	[tilespmem:v6+s10+$0x0] =	vst.idx.add.s32.msk $0xffff, v1  }
0x166: {  	[tilespmem:v2+s10+$0x0] =	vst.idx.add.s32.msk $0xffff, v1;
	v2 =	vshrl.u32 v3, $0x10;
	v3 =	vshrl.u32 v8, $0x10  }
0x167: {  	v6 =	vld [tilespmem:s31+$0xFFFFFFB0]  }
0x168: {  	v5 =	vld [tilespmem:s31+$0xFFFFFF90]  }
0x169: {  	[tilespmem:v4+s10+$0x0] =	vst.idx.add.s32.msk $0xffff, v1  }
0x16a: {  	v4 =	vld [tilespmem:s31+$0xFFFFFFA0]  }
0x16b: {  	[tilespmem:v3+s10+$0x0] =	vst.idx.add.s32.msk $0xffff, v1;
	v3 =	vshrl.u32 v7, $0x10  }
0x16c: {  	[tilespmem:v2+s10+$0x0] =	vst.idx.add.s32.msk $0xffff, v1  }
0x16d: {  	v5 =	vshrl.u32 v5, $0x10;
	v7 =	vld [tilespmem:s31+$0xFFFFFFC0]  }
0x16e: {  	v2 =	vld [tilespmem:s31+$0xF0];
	_ =	sdelay $0x1  }
0x16f: {  	[tilespmem:v3+s10+$0x0] =	vst.idx.add.s32.msk $0xffff, v1;
	v3 =	vshrl.u32 v4, $0x10  }
0x170: {  	v60 =	vld [tilespmem:s31+$0xFFFFFFE0];
	v4 =	vshrl.u32 v6, $0x10  }
0x171: {  	[tilespmem:v5+s10+$0x0] =	vst.idx.add.s32.msk $0xffff, v1;
	v5 =	vshrl.u32 v7, $0x10  }
0x172: {  	v8 =	vld [tilespmem:s31+$0xFFFFFFD0];
	v2 =	vshrl.u32 v2, $0x10  }
0x173: {  	v7 =	vld [tilespmem:s31+$0x0]  }
0x174: {  	[tilespmem:v3+s10+$0x0] =	vst.idx.add.s32.msk $0xffff, v1  }
0x175: {  	[tilespmem:v4+s10+$0x0] =	vst.idx.add.s32.msk $0xffff, v1;
	v3 =	vshrl.u32 v60, $0x10  }
0x176: {  	[tilespmem:v5+s10+$0x0] =	vst.idx.add.s32.msk $0xffff, v1  }
0x177: {  	[tilespmem:v2+s10+$0x0] =	vst.idx.add.s32.msk $0xffff, v1;
	v2 =	vshrl.u32 v8, $0x10  }
0x178: {  	v4 =	vld [tilespmem:s31+$0x20]  }
0x179: {  	v6 =	vld [tilespmem:s31+$0x170]  }
0x17a: {  	[tilespmem:v3+s10+$0x0] =	vst.idx.add.s32.msk $0xffff, v1  }
0x17b: {  	v3 =	vld [tilespmem:s31+$0x40]  }
0x17c: {  	v7 =	vshrl.u32 v7, $0x10;
	[tilespmem:v2+s10+$0x0] =	vst.idx.add.s32.msk $0xffff, v1  }
0x17d: {  	v2 =	vld [tilespmem:s31+$0x10]  }
0x17e: {  	v5 =	vshrl.u32 v6, $0x10;
	v6 =	vld [tilespmem:s31+$0x30]  }
0x17f: {  	v4 =	vshrl.u32 v4, $0x10  }
0x180: {  	v61 =	vld [tilespmem:s31+$0x60]  }
0x181: {  	[tilespmem:v7+s10+$0x0] =	vst.idx.add.s32.msk $0xffff, v1;
	v3 =	vshrl.u32 v3, $0x10  }
0x182: {  	v8 =	vld [tilespmem:s31+$0x50];
	v2 =	vshrl.u32 v2, $0x10  }
0x183: {  	[tilespmem:v5+s10+$0x0] =	vst.idx.add.s32.msk $0xffff, v1;
	v5 =	vshrl.u32 v6, $0x10  }
0x184: {  	[tilespmem:v4+s10+$0x0] =	vst.idx.add.s32.msk $0xffff, v1  }
0x185: {  	v4 =	vshrl.u32 v61, $0x10;
	v6 =	vld [tilespmem:s31+$0x80]  }
0x186: {  	[tilespmem:v3+s10+$0x0] =	vst.idx.add.s32.msk $0xffff, v1  }
0x187: {  	[tilespmem:v2+s10+$0x0] =	vst.idx.add.s32.msk $0xffff, v1  }
0x188: {  	[tilespmem:v5+s10+$0x0] =	vst.idx.add.s32.msk $0xffff, v1  }
0x189: {  	v2 =	vshrl.u32 v8, $0x10;
	v5 =	vld [tilespmem:s31+$0x90]  }
0x18a: {  	[tilespmem:v4+s10+$0x0] =	vst.idx.add.s32.msk $0xffff, v1  }
0x18b: {  	v8 =	vld [tilespmem:s31+$0xE0]  }
0x18c: {  	v3 =	vshrl.u32 v6, $0x10;
	v6 =	vld [tilespmem:s31+$0xC0]  }
0x18d: {  	v4 =	vld [tilespmem:s31+$0xB0]  }
0x18e: {  	[tilespmem:v2+s10+$0x0] =	vst.idx.add.s32.msk $0xffff, v1;
	v5 =	vshrl.u32 v5, $0x10  }
0x18f: {  	v2 =	vld [tilespmem:s31+$0xA0]  }
0x190: {  	v7 =	vld [tilespmem:s31+$0xD0];
	v8 =	vshrl.u32 v8, $0x10  }
0x191: {  	v62 =	vld [tilespmem:s31+$0x1F0]  }
0x192: {  	[tilespmem:v3+s10+$0x0] =	vst.idx.add.s32.msk $0xffff, v1;
	v3 =	vshrl.u32 v4, $0x10  }
0x193: {  	v4 =	vshrl.u32 v6, $0x10;
	[tilespmem:v5+s10+$0x0] =	vst.idx.add.s32.msk $0xffff, v1  }
0x194: {  	v2 =	vshrl.u32 v2, $0x10;
	v5 =	vld [tilespmem:s31+$0x100]  }
0x195: {  	v6 =	vshrl.u32 v7, $0x10;
	[tilespmem:v8+s10+$0x0] =	vst.idx.add.s32.msk $0xffff, v1  }
0x196: {  	v7 =	vld [tilespmem:s31+$0x110]  }
0x197: {  	[tilespmem:v3+s10+$0x0] =	vst.idx.add.s32.msk $0xffff, v1  }
0x198: {  	[tilespmem:v4+s10+$0x0] =	vst.idx.add.s32.msk $0xffff, v1  }
0x199: {  	[tilespmem:v2+s10+$0x0] =	vst.idx.add.s32.msk $0xffff, v1  }
0x19a: {  	[tilespmem:v6+s10+$0x0] =	vst.idx.add.s32.msk $0xffff, v1  }
0x19b: {  	v2 =	vshrl.u32 v62, $0x10;
	v3 =	vld [tilespmem:s31+$0x120]  }
0x19c: {  	v4 =	vshrl.u32 v5, $0x10;
	v5 =	vld [tilespmem:s31+$0x130]  }
0x19d: {  	v6 =	vshrl.u32 v7, $0x10;
	v7 =	vld [tilespmem:s31+$0x140]  }
0x19e: {  	v8 =	vld [tilespmem:s31+$0x150]  }
0x19f: {  	v63 =	vld [tilespmem:s31+$0x160]  }
0x1a0: {  	[tilespmem:v2+s10+$0x0] =	vst.idx.add.s32.msk $0xffff, v1;
	v2 =	vshrl.u32 v3, $0x10  }
0x1a1: {  	[tilespmem:v4+s10+$0x0] =	vst.idx.add.s32.msk $0xffff, v1;
	v3 =	vshrl.u32 v5, $0x10  }
0x1a2: {  	[tilespmem:v6+s10+$0x0] =	vst.idx.add.s32.msk $0xffff, v1;
	v4 =	vshrl.u32 v7, $0x10  }
0x1a3: {  	v5 =	vld [tilespmem:s31+$0x180];
	v6 =	vshrl.u32 v8, $0x10  }
0x1a4: {  	v8 =	vshrl.u32 v63, $0x10;
	v7 =	vld [tilespmem:s31+$0x190]  }
0x1a5: {  	[tilespmem:v2+s10+$0x0] =	vst.idx.add.s32.msk $0xffff, v1  }
0x1a6: {  	[tilespmem:v3+s10+$0x0] =	vst.idx.add.s32.msk $0xffff, v1  }
0x1a7: {  	[tilespmem:v4+s10+$0x0] =	vst.idx.add.s32.msk $0xffff, v1  }
0x1a8: {  	[tilespmem:v6+s10+$0x0] =	vst.idx.add.s32.msk $0xffff, v1  }
0x1a9: {  	[tilespmem:v8+s10+$0x0] =	vst.idx.add.s32.msk $0xffff, v1  }
0x1aa: {  	v4 =	vshrl.u32 v5, $0x10;
	v5 =	vld [tilespmem:s31+$0x1A0]  }
0x1ab: {  	v8 =	vld [tilespmem:s31+$0x1B0];
	v7 =	vshrl.u32 v7, $0x10  }
0x1ac: {  	v6 =	vld [tilespmem:s31+$0x1C0]  }
0x1ad: {  	v3 =	vld [tilespmem:s31+$0x1D0]  }
0x1ae: {  	v2 =	vld [tilespmem:s31+$0x1E0]  }
0x1af: {  	[tilespmem:v4+s10+$0x0] =	vst.idx.add.s32.msk $0xffff, v1  }
0x1b0: {  	s18 =	simm.s32 $0x4600;
	s17 =	simm.s32 $0x0;
	v4 =	vshrl.u32 v5, $0x10;
	v5 =	vshrl.u32 v8, $0x10;
	[tilespmem:v7+s10+$0x0] =	vst.idx.add.s32.msk $0xffff, v1  }
.LBB2_7:
0x1b1: {  	v7 =	vld [tilespmem:s18+$0xFFFFFE70];
	s17 =	sadd.s32 $0x8, s17;
	v6 =	vshrl.u32 v6, $0x10  }
0x1b2: {  	v8 =	vld [tilespmem:s18+$0xFFFFFE10];
	p0 =	slt.u32 s17, $0x78;
	v3 =	vshrl.u32 v3, $0x10  }
0x1b3: {  	v9 =	vld [tilespmem:s18+$0xFFFFFE20];
	v2 =	vshrl.u32 v2, $0x10  }
0x1b4: {  	v10 =	vld [tilespmem:s18+$0xFFFFFE30]  }
0x1b5: {  	v11 =	vld [tilespmem:s18+$0xFFFFFE40]  }
0x1b6: {  	v12 =	vld [tilespmem:s18+$0xFFFFFE50];
	v7 =	vshrl.u32 v7, $0x10  }
0x1b7: {  	v8 =	vshrl.u32 v8, $0x10;
	v13 =	vld [tilespmem:s18+$0xFFFFFE60]  }
0x1b8: {  	v14 =	vld [tilespmem:s18+$0xFFFFFE00];
	v9 =	vshrl.u32 v9, $0x10  }
0x1b9: {  	v10 =	vshrl.u32 v10, $0x10;
	[tilespmem:v4+s10+$0x0] =	vst.idx.add.s32.msk $0xffff, v1  }
0x1ba: {  	v4 =	vshrl.u32 v11, $0x10;
	[tilespmem:v5+s10+$0x0] =	vst.idx.add.s32.msk $0xffff, v1  }
0x1bb: {  	v5 =	vshrl.u32 v12, $0x10;
	[tilespmem:v7+s10+$0x0] =	vst.idx.add.s32.msk $0xffff, v1  }
0x1bc: {  	v7 =	vshrl.u32 v13, $0x10;
	v11 =	vld [tilespmem:s18+$0xFFFFFEF0]  }
0x1bd: {  	v12 =	vshrl.u32 v14, $0x10;
	[tilespmem:v8+s10+$0x0] =	vst.idx.add.s32.msk $0xffff, v1  }
0x1be: {  	[tilespmem:v9+s10+$0x0] =	vst.idx.add.s32.msk $0xffff, v1  }
0x1bf: {  	[tilespmem:v10+s10+$0x0] =	vst.idx.add.s32.msk $0xffff, v1  }
0x1c0: {  	[tilespmem:v4+s10+$0x0] =	vst.idx.add.s32.msk $0xffff, v1  }
0x1c1: {  	[tilespmem:v5+s10+$0x0] =	vst.idx.add.s32.msk $0xffff, v1;
	v4 =	vshrl.u32 v11, $0x10  }
0x1c2: {  	[tilespmem:v12+s10+$0x0] =	vst.idx.add.s32.msk $0xffff, v1  }
0x1c3: {  	[tilespmem:v7+s10+$0x0] =	vst.idx.add.s32.msk $0xffff, v1  }
0x1c4: {  	v5 =	vld [tilespmem:s18+$0xFFFFFE80]  }
0x1c5: {  	v7 =	vld [tilespmem:s18+$0xFFFFFE90]  }
0x1c6: {  	[tilespmem:v4+s10+$0x0] =	vst.idx.add.s32.msk $0xffff, v1  }
0x1c7: {  	v4 =	vld [tilespmem:s18+$0xFFFFFF70]  }
0x1c8: {  	v8 =	vld [tilespmem:s18+$0xFFFFFEA0]  }
0x1c9: {  	v5 =	vshrl.u32 v5, $0x10;
	v9 =	vld [tilespmem:s18+$0xFFFFFEB0]  }
0x1ca: {  	v7 =	vshrl.u32 v7, $0x10;
	v10 =	vld [tilespmem:s18+$0xFFFFFEC0]  }
0x1cb: {  	v11 =	vld [tilespmem:s18+$0xFFFFFED0]  }
0x1cc: {  	v12 =	vld [tilespmem:s18+$0xFFFFFEE0];
	v4 =	vshrl.u32 v4, $0x10  }
0x1cd: {  	v8 =	vshrl.u32 v8, $0x10;
	[tilespmem:v6+s10+$0x0] =	vst.idx.add.s32.msk $0xffff, v1  }
0x1ce: {  	[tilespmem:v5+s10+$0x0] =	vst.idx.add.s32.msk $0xffff, v1;
	v5 =	vshrl.u32 v9, $0x10  }
0x1cf: {  	[tilespmem:v7+s10+$0x0] =	vst.idx.add.s32.msk $0xffff, v1;
	v6 =	vshrl.u32 v10, $0x10  }
0x1d0: {  	v7 =	vld [tilespmem:s18+$0xFFFFFF00];
	v9 =	vshrl.u32 v11, $0x10  }
0x1d1: {  	v10 =	vshrl.u32 v12, $0x10;
	[tilespmem:v4+s10+$0x0] =	vst.idx.add.s32.msk $0xffff, v1  }
0x1d2: {  	v4 =	vld [tilespmem:s18+$0xFFFFFFF0]  }
0x1d3: {  	[tilespmem:v8+s10+$0x0] =	vst.idx.add.s32.msk $0xffff, v1  }
0x1d4: {  	[tilespmem:v5+s10+$0x0] =	vst.idx.add.s32.msk $0xffff, v1  }
0x1d5: {  	v5 =	vshrl.u32 v7, $0x10;
	[tilespmem:v6+s10+$0x0] =	vst.idx.add.s32.msk $0xffff, v1  }
0x1d6: {  	[tilespmem:v9+s10+$0x0] =	vst.idx.add.s32.msk $0xffff, v1  }
0x1d7: {  	[tilespmem:v10+s10+$0x0] =	vst.idx.add.s32.msk $0xffff, v1;
	v4 =	vshrl.u32 v4, $0x10  }
0x1d8: {  	v6 =	vld [tilespmem:s18+$0xFFFFFF10]  }
0x1d9: {  	v7 =	vld [tilespmem:s18+$0xFFFFFF20]  }
0x1da: {  	v8 =	vld [tilespmem:s18+$0xFFFFFF30]  }
0x1db: {  	v9 =	vld [tilespmem:s18+$0xFFFFFF40]  }
0x1dc: {  	[tilespmem:v4+s10+$0x0] =	vst.idx.add.s32.msk $0xffff, v1  }
0x1dd: {  	v4 =	vshrl.u32 v6, $0x10;
	v6 =	vld [tilespmem:s18+$0x70]  }
0x1de: {  	v7 =	vshrl.u32 v7, $0x10;
	v10 =	vld [tilespmem:s18+$0xFFFFFF50]  }
0x1df: {  	v8 =	vshrl.u32 v8, $0x10;
	v11 =	vld [tilespmem:s18+$0xFFFFFF60]  }
0x1e0: {  	[tilespmem:v5+s10+$0x0] =	vst.idx.add.s32.msk $0xffff, v1;
	v5 =	vshrl.u32 v9, $0x10  }
0x1e1: {  	v9 =	vld [tilespmem:s18+$0xFFFFFF80]  }
0x1e2: {  	[tilespmem:v4+s10+$0x0] =	vst.idx.add.s32.msk $0xffff, v1;
	v4 =	vshrl.u32 v6, $0x10  }
0x1e3: {  	[tilespmem:v7+s10+$0x0] =	vst.idx.add.s32.msk $0xffff, v1;
	v6 =	vshrl.u32 v10, $0x10  }
0x1e4: {  	[tilespmem:v8+s10+$0x0] =	vst.idx.add.s32.msk $0xffff, v1;
	v7 =	vshrl.u32 v11, $0x10  }
0x1e5: {  	[tilespmem:v5+s10+$0x0] =	vst.idx.add.s32.msk $0xffff, v1  }
0x1e6: {  	v5 =	vshrl.u32 v9, $0x10;
	v8 =	vld [tilespmem:s18+$0xFFFFFF90]  }
0x1e7: {  	[tilespmem:v4+s10+$0x0] =	vst.idx.add.s32.msk $0xffff, v1  }
0x1e8: {  	v4 =	vld [tilespmem:s18+$0xF0]  }
0x1e9: {  	[tilespmem:v6+s10+$0x0] =	vst.idx.add.s32.msk $0xffff, v1  }
0x1ea: {  	[tilespmem:v7+s10+$0x0] =	vst.idx.add.s32.msk $0xffff, v1  }
0x1eb: {  	v6 =	vshrl.u32 v8, $0x10;
	v7 =	vld [tilespmem:s18+$0xFFFFFFA0]  }
0x1ec: {  	v8 =	vld [tilespmem:s18+$0xFFFFFFB0]  }
0x1ed: {  	v9 =	vld [tilespmem:s18+$0xFFFFFFC0];
	v4 =	vshrl.u32 v4, $0x10  }
0x1ee: {  	v10 =	vld [tilespmem:s18+$0xFFFFFFD0]  }
0x1ef: {  	v11 =	vld [tilespmem:s18+$0xFFFFFFE0]  }
0x1f0: {  	[tilespmem:v5+s10+$0x0] =	vst.idx.add.s32.msk $0xffff, v1;
	v5 =	vshrl.u32 v7, $0x10  }
0x1f1: {  	[tilespmem:v6+s10+$0x0] =	vst.idx.add.s32.msk $0xffff, v1;
	v6 =	vshrl.u32 v8, $0x10  }
0x1f2: {  	v7 =	vshrl.u32 v9, $0x10;
	[tilespmem:v4+s10+$0x0] =	vst.idx.add.s32.msk $0xffff, v1  }
0x1f3: {  	v4 =	vshrl.u32 v10, $0x10;
	v8 =	vld [tilespmem:s18+$0x170]  }
0x1f4: {  	v9 =	vld [tilespmem:s18+$0x0];
	v10 =	vshrl.u32 v11, $0x10  }
0x1f5: {  	[tilespmem:v5+s10+$0x0] =	vst.idx.add.s32.msk $0xffff, v1  }
0x1f6: {  	[tilespmem:v6+s10+$0x0] =	vst.idx.add.s32.msk $0xffff, v1  }
0x1f7: {  	[tilespmem:v7+s10+$0x0] =	vst.idx.add.s32.msk $0xffff, v1  }
0x1f8: {  	[tilespmem:v4+s10+$0x0] =	vst.idx.add.s32.msk $0xffff, v1;
	v4 =	vshrl.u32 v8, $0x10  }
0x1f9: {  	v5 =	vshrl.u32 v9, $0x10;
	[tilespmem:v10+s10+$0x0] =	vst.idx.add.s32.msk $0xffff, v1  }
0x1fa: {  	v6 =	vld [tilespmem:s18+$0x10]  }
0x1fb: {  	v7 =	vld [tilespmem:s18+$0x20]  }
0x1fc: {  	v8 =	vld [tilespmem:s18+$0x30]  }
0x1fd: {  	[tilespmem:v4+s10+$0x0] =	vst.idx.add.s32.msk $0xffff, v1  }
0x1fe: {  	v4 =	vld [tilespmem:s18+$0x1F0]  }
0x1ff: {  	v6 =	vshrl.u32 v6, $0x10;
	v9 =	vld [tilespmem:s18+$0x40]  }
0x200: {  	v7 =	vshrl.u32 v7, $0x10;
	v10 =	vld [tilespmem:s18+$0x50]  }
0x201: {  	v8 =	vshrl.u32 v8, $0x10;
	v11 =	vld [tilespmem:s18+$0x60]  }
0x202: {  	[tilespmem:v5+s10+$0x0] =	vst.idx.add.s32.msk $0xffff, v1  }
0x203: {  	v5 =	vld [tilespmem:s18+$0x80];
	v4 =	vshrl.u32 v4, $0x10  }
0x204: {  	[tilespmem:v6+s10+$0x0] =	vst.idx.add.s32.msk $0xffff, v1;
	v6 =	vshrl.u32 v9, $0x10  }
0x205: {  	[tilespmem:v7+s10+$0x0] =	vst.idx.add.s32.msk $0xffff, v1;
	v7 =	vshrl.u32 v10, $0x10  }
0x206: {  	[tilespmem:v8+s10+$0x0] =	vst.idx.add.s32.msk $0xffff, v1;
	v8 =	vshrl.u32 v11, $0x10  }
0x207: {  	v9 =	vld [tilespmem:s18+$0x90]  }
0x208: {  	v5 =	vshrl.u32 v5, $0x10;
	[tilespmem:v4+s10+$0x0] =	vst.idx.add.s32.msk $0xffff, v1  }
0x209: {  	[tilespmem:v6+s10+$0x0] =	vst.idx.add.s32.msk $0xffff, v1  }
0x20a: {  	[tilespmem:v7+s10+$0x0] =	vst.idx.add.s32.msk $0xffff, v1  }
0x20b: {  	[tilespmem:v8+s10+$0x0] =	vst.idx.add.s32.msk $0xffff, v1  }
0x20c: {  	v4 =	vshrl.u32 v9, $0x10;
	v6 =	vld [tilespmem:s18+$0xA0]  }
0x20d: {  	v7 =	vld [tilespmem:s18+$0xB0]  }
0x20e: {  	v8 =	vld [tilespmem:s18+$0xC0]  }
0x20f: {  	v9 =	vld [tilespmem:s18+$0xD0]  }
0x210: {  	v10 =	vld [tilespmem:s18+$0xE0]  }
0x211: {  	[tilespmem:v5+s10+$0x0] =	vst.idx.add.s32.msk $0xffff, v1;
	v5 =	vshrl.u32 v6, $0x10  }
0x212: {  	[tilespmem:v4+s10+$0x0] =	vst.idx.add.s32.msk $0xffff, v1;
	v4 =	vshrl.u32 v7, $0x10  }
0x213: {  	v6 =	vld [tilespmem:s18+$0x100];
	v7 =	vshrl.u32 v8, $0x10  }
0x214: {  	v8 =	vld [tilespmem:s18+$0x110];
	v9 =	vshrl.u32 v9, $0x10  }
0x215: {  	v10 =	vshrl.u32 v10, $0x10;
	[tilespmem:v3+s10+$0x0] =	vst.idx.add.s32.msk $0xffff, v1  }
0x216: {  	[tilespmem:v5+s10+$0x0] =	vst.idx.add.s32.msk $0xffff, v1  }
0x217: {  	[tilespmem:v4+s10+$0x0] =	vst.idx.add.s32.msk $0xffff, v1  }
0x218: {  	v3 =	vshrl.u32 v6, $0x10;
	[tilespmem:v7+s10+$0x0] =	vst.idx.add.s32.msk $0xffff, v1  }
0x219: {  	v4 =	vshrl.u32 v8, $0x10;
	[tilespmem:v9+s10+$0x0] =	vst.idx.add.s32.msk $0xffff, v1  }
0x21a: {  	[tilespmem:v10+s10+$0x0] =	vst.idx.add.s32.msk $0xffff, v1  }
0x21b: {  	v5 =	vld [tilespmem:s18+$0x120]  }
0x21c: {  	v6 =	vld [tilespmem:s18+$0x130]  }
0x21d: {  	v7 =	vld [tilespmem:s18+$0x140]  }
0x21e: {  	v8 =	vld [tilespmem:s18+$0x150]  }
0x21f: {  	v9 =	vld [tilespmem:s18+$0x160]  }
0x220: {  	[tilespmem:v3+s10+$0x0] =	vst.idx.add.s32.msk $0xffff, v1;
	v3 =	vshrl.u32 v5, $0x10  }
0x221: {  	[tilespmem:v4+s10+$0x0] =	vst.idx.add.s32.msk $0xffff, v1;
	v4 =	vshrl.u32 v6, $0x10  }
0x222: {  	v5 =	vld [tilespmem:s18+$0x180];
	v6 =	vshrl.u32 v7, $0x10  }
0x223: {  	v7 =	vld [tilespmem:s18+$0x190];
	v8 =	vshrl.u32 v8, $0x10  }
0x224: {  	v9 =	vshrl.u32 v9, $0x10;
	[tilespmem:v2+s10+$0x0] =	vst.idx.add.s32.msk $0xffff, v1  }
0x225: {  	[tilespmem:v3+s10+$0x0] =	vst.idx.add.s32.msk $0xffff, v1  }
0x226: {  	[tilespmem:v4+s10+$0x0] =	vst.idx.add.s32.msk $0xffff, v1  }
0x227: {  	v4 =	vshrl.u32 v5, $0x10;
	[tilespmem:v6+s10+$0x0] =	vst.idx.add.s32.msk $0xffff, v1  }
0x228: {  	v5 =	vshrl.u32 v7, $0x10;
	[tilespmem:v8+s10+$0x0] =	vst.idx.add.s32.msk $0xffff, v1  }
0x229: {  	[tilespmem:v9+s10+$0x0] =	vst.idx.add.s32.msk $0xffff, v1  }
0x22a: {  	v7 =	vld [tilespmem:s18+$0x1A0]  }
0x22b: {  	v8 =	vld [tilespmem:s18+$0x1B0]  }
.Ltmp2:
0x22c: {  	v6 =	vld [tilespmem:s18+$0x1C0];
	(pc) =	sbr.rel @p0 .LBB2_7-.Ltmp2, $4  }
0x22d: {  	v3 =	vld [tilespmem:s18+$0x1D0]  }
0x22e: {  	v2 =	vld [tilespmem:s18+$0x1E0]  }
0x22f: {  	[tilespmem:v4+s10+$0x0] =	vst.idx.add.s32.msk $0xffff, v1;
	v4 =	vshrl.u32 v7, $0x10  }
0x230: {  	s18 =	sadd.s32 $0x400, s18;
	[tilespmem:v5+s10+$0x0] =	vst.idx.add.s32.msk $0xffff, v1;
	v5 =	vshrl.u32 v8, $0x10  }
0x231: {  	_ = 	snop  }
0x232: {  	v6 =	vshrl.u32 v6, $0x10  }
0x233: {  	s16 =	sadd.s32 $0x1, s16;
	v3 =	vshrl.u32 v3, $0x10  }
0x234: {  	p0 =	sne.s32 s16, $0x40;
	v2 =	vshrl.u32 v2, $0x10  }
.Ltmp3:
0x235: {  	[tilespmem:v4+s10+$0x0] =	vst.idx.add.s32.msk $0xffff, v1;
	(pc) =	sbr.rel @p0 .LBB2_4-.Ltmp3, $4  }
0x236: {  	[tilespmem:v5+s10+$0x0] =	vst.idx.add.s32.msk $0xffff, v1  }
0x237: {  	[tilespmem:v6+s10+$0x0] =	vst.idx.add.s32.msk $0xffff, v1  }
0x238: {  	[tilespmem:v3+s10+$0x0] =	vst.idx.add.s32.msk $0xffff, v1  }
0x239: {  	[tilespmem:v2+s10+$0x0] =	vst.idx.add.s32.msk $0xffff, v1  }
0x23a: {  	_ =	swait.ge [sflag:s9], $0x4000;
	s15 =	sadd.s32 $0x1, s15  }
0x23b: {  	[sflag:s9] =	ssyncset.done $0x0;
	p0 =	sne.s32 s15, s7  }
.Ltmp4:
0x23c: {  	[sflag:s9] =	ssyncadd.s32 $0xFFFFC000;
	(pc) =	sbr.rel @p0 .LBB2_1-.Ltmp4, $4  }
0x23d: {  	[hbm4b:s6+s12] =	stream.strided.scatter [tilespmem:s10], [sflag:$0x3], $0x10000, s13, s12, $0x38;
	[tilespmem:$0x18000] =	vst v63  }
0x23e: {  	_ =	swait.ge [sflag:s14], $0x10000  }
0x23f: {  	[sflag:s14] =	ssyncset.done $0x0  }
0x240: {  	[sflag:s14] =	ssyncadd.s32 $0xFFFF0000  }
0x241: {  	_ =	sfence.sel $0x180000  }
0x242: {  	[bflag:$0x0] =	sbarrier.arrive $0xFFFF  }
0x243: {  	p0 =	sne.s32 s1, $0x0;
	_ =	strace $0x90000047  }
0x244: {  	s0 =	sadd.s32 @!p0 $0x100000, s0;
	[bflag:$0x2] =	sbarrier.arrive $0xFFFF  }
0x245: {  	[sflag:s0] =	ssyncadd.tile.s32 @!p0 $0x1;
	_ =	shalt  }
.Lfunc_end2:
_tile_overlayer_lowered:
.L_overlay_start_2:
0x246: {  	(tag) =	ssettag $0x2  }
0x247: {  	s0 =	rddreg [dreg:$0x0];
	s2 =	stileid.u32  }
0x248: {  	s1 =	rddreg [dreg:$0x1];
	p0 =	sne.s32 s2, $0x0  }
0x249: {  	s3 =	rddreg [dreg:$0x2];
	[bflag:$0x3] =	sbarrier.arrive $0xFFFF;
	s2 =	simm.s32 @!p0 $0x1C03  }
0x24a: {  	[timem:s3], [sflag:s2] =	dma.local @!p0 [hbm:s0], s1  }
0x24b: {  	s0 =	simm.s32 @!p0 $0x3  }
0x24c: {  	_ =	swait.ge @!p0 [sflag:s0], s1  }
0x24d: {  	s1 =	ssub.s32 @!p0 $0x0, s1;
	[sflag:s0] =	ssyncset.done @!p0 $0x0  }
0x24e: {  	[sflag:s0] =	ssyncadd.s32 @!p0 s1  }
0x24f: {  	[bflag:$0x3] =	sbarrier.arrive $0xFFFF  }
0x250: {  	_ =	shalt  }

</sc_bundles>
